<compile_context>
chip_gen: v7x
topology: tpu7x:2x2x1
jax: 0.10.2.dev20260603
libtpu: 0.0.44.dev20260713+nightly
codegen_flags: <defaults>
</compile_context>

<pallas_src>
import functools

import jax
import jax.numpy as jnp
from jax import lax
from jax.experimental import pallas as pl
from jax.experimental.pallas import tpu as pltpu
from jax.experimental.pallas import tpu_sc as plsc

_K = 8
_TN = 512


def _knn_h_body(pc_ref, cc_ref, pft_ref, ptab_ref, w1aT_ref, w1bT_ref, b1_ref,
                idx_ref, idxo_ref, h_ref, hs_ref, hss_ref, *, M, K, TN):
    b = pl.program_id(0)
    t = pl.program_id(1)
    pc = pc_ref[0]
    cc = cc_ref[0]
    d = (jnp.sum(pc * pc, axis=1, keepdims=True)
         + jnp.sum(cc * cc, axis=0, keepdims=True)
         - 2.0 * jnp.dot(pc, cc, preferred_element_type=jnp.float32))
    gt = jnp.dot(ptab_ref[0], w1aT_ref[...],
                 preferred_element_type=jnp.float32)
    hsh = jnp.dot(pft_ref[0], w1bT_ref[...],
                  preferred_element_type=jnp.float32) + b1_ref[...]
    iotaf = jax.lax.broadcasted_iota(jnp.int32, (TN, M), 1).astype(jnp.float32)
    cols = []
    acc_s = jnp.zeros_like(hs_ref)
    acc_ss = jnp.zeros_like(hss_ref)
    for k in range(K):
        dmin = jnp.min(d, axis=1, keepdims=True)
        ikf = jnp.min(jnp.where(d == dmin, iotaf, float(M)),
                      axis=1, keepdims=True)
        mk = iotaf == ikf
        hk = jnp.dot(mk.astype(jnp.float32), gt,
                     preferred_element_type=jnp.float32) + hsh
        h_ref[0, k] = hk
        acc_s = acc_s + jnp.sum(hk, axis=0, keepdims=True)
        acc_ss = acc_ss + jnp.sum(hk * hk, axis=0, keepdims=True)
        cols.append(ikf)
        d = jnp.where(mk, jnp.inf, d)
    idx_all = jnp.concatenate(cols, axis=1).astype(jnp.int32)
    idx_ref[0] = idx_all
    idxo_ref[0] = idx_all + b * M

    @pl.when((b == 0) & (t == 0))
    def _():
        hs_ref[...] = jnp.zeros_like(hs_ref)
        hss_ref[...] = jnp.zeros_like(hss_ref)

    hs_ref[...] += acc_s
    hss_ref[...] += acc_ss


def _weights_body(h_ref, sc1_ref, sh1_ref, w2T_ref, b2_ref,
                  w_ref, wn_ref, *, K):
    wcols = []
    for k in range(K):
        hn = h_ref[0, k] * sc1_ref[...] + sh1_ref[...]
        hr = jnp.maximum(hn, 0.0)
        s = jnp.dot(hr, w2T_ref[...],
                    preferred_element_type=jnp.float32) + b2_ref[...]
        wcols.append(1.0 / (1.0 + jnp.exp(-s)))
    wall = jnp.concatenate(wcols, axis=1)
    wsum = jnp.sum(wall, axis=1, keepdims=True)
    w_ref[0] = wall
    wn_ref[0] = wall * (1.0 / (wsum + 1e-8))


def _sc_gather_body(ctab_ref, idxo_ref, out_ref, idx_v, rows_v, sem,
                    *, K, PW, CP, NCHUNK):
    wid = lax.axis_index("s") * 2 + lax.axis_index("c")

    def chunk_body(c, carry):
        pts0 = pl.multiple_of(wid * PW + c * CP, CP)
        r0 = pl.multiple_of(pts0 * K, CP * K)
        ir0 = pl.multiple_of(r0 // 128, 8)
        pltpu.sync_copy(idxo_ref.at[pl.ds(ir0, 8)], idx_v)
        for half in range(2):
            cps = [pltpu.async_copy(ctab_ref.at[idx_v.at[4 * half + q]],
                                    rows_v.at[pl.ds(q * 128, 128)], sem)
                   for q in range(4)]
            for cp in cps:
                cp.wait()
            o0 = pl.multiple_of(r0 + half * 512, 512)
            pltpu.sync_copy(rows_v, out_ref.at[pl.ds(o0, 512)])
        return carry

    lax.fori_loop(0, NCHUNK, chunk_body, 0)


def _mlp_body(g_ref, wn_ref, pft_ref, w64T_ref, w32T_ref, mb_ref,
              y_ref, ys_ref, yss_ref, *, K):
    b = pl.program_id(0)
    t = pl.program_id(1)
    wn = wn_ref[0]
    cin = w64T_ref.shape[0]
    interp = g_ref[0, :, 0, 0:cin] * wn[:, 0:1]
    for k in range(1, K):
        interp = interp + g_ref[0, :, k, 0:cin] * wn[:, k:k + 1]
    y = (jnp.dot(interp, w64T_ref[...], preferred_element_type=jnp.float32)
         + jnp.dot(pft_ref[0], w32T_ref[...], preferred_element_type=jnp.float32)
         + mb_ref[...])
    y_ref[0] = y

    @pl.when((b == 0) & (t == 0))
    def _():
        ys_ref[...] = jnp.zeros_like(ys_ref)
        yss_ref[...] = jnp.zeros_like(yss_ref)

    ys_ref[...] += jnp.sum(y, axis=0, keepdims=True)
    yss_ref[...] += jnp.sum(y * y, axis=0, keepdims=True)


def _bn_relu_body(y_ref, sc_ref, sh_ref, o_ref):
    y = jnp.maximum(y_ref[0] * sc_ref[...] + sh_ref[...], 0.0)
    o_ref[0] = jnp.transpose(y, (1, 0))


def kernel(points_coords, centers_coords, centers_features, points_features,
           sim_w1, sim_b1, sim_g1, sim_be1, sim_w2, sim_b2,
           mlp_w, mlp_b, mlp_g, mlp_be):
    B, _, N = points_coords.shape
    M = centers_coords.shape[2]
    Csa = points_features.shape[1]
    Cin = centers_features.shape[1]
    Cout = mlp_w.shape[0]
    eps = 1e-5
    K = _K
    TN = min(_TN, N)
    nt = N // TN

    pct = jnp.transpose(points_coords, (0, 2, 1))
    pft = jnp.transpose(points_features, (0, 2, 1))
    ptab = pft[:, :M, :]
    ctab = jnp.transpose(centers_features, (0, 2, 1))
    w1aT = jnp.transpose(sim_w1[:, :Csa])
    w1bT = jnp.transpose(sim_w1[:, Csa:])
    b1 = sim_b1[None, :]
    w2T = jnp.transpose(sim_w2)
    b2 = sim_b2[None, :]
    w64T = jnp.transpose(mlp_w[:, :Cin])
    w32T = jnp.transpose(mlp_w[:, Cin:])
    mb = mlp_b[None, :]

    grid = (B, nt)
    const = lambda b, t: (0, 0)

    idx, idxo, h, hs, hss = pl.pallas_call(
        functools.partial(_knn_h_body, M=M, K=K, TN=TN),
        grid=grid,
        in_specs=[
            pl.BlockSpec((1, TN, 3), lambda b, t: (b, t, 0)),
            pl.BlockSpec((1, 3, M), lambda b, t: (b, 0, 0)),
            pl.BlockSpec((1, TN, Csa), lambda b, t: (b, t, 0)),
            pl.BlockSpec((1, M, Csa), lambda b, t: (b, 0, 0)),
            pl.BlockSpec((Csa, Csa), const),
            pl.BlockSpec((Csa, Csa), const),
            pl.BlockSpec((1, Csa), const),
        ],
        out_specs=[
            pl.BlockSpec((1, TN, K), lambda b, t: (b, t, 0)),
            pl.BlockSpec((1, TN, K), lambda b, t: (b, t, 0)),
            pl.BlockSpec((1, K, TN, Csa), lambda b, t: (b, 0, t, 0)),
            pl.BlockSpec((1, Csa), const),
            pl.BlockSpec((1, Csa), const),
        ],
        out_shape=[
            jax.ShapeDtypeStruct((B, N, K), jnp.int32),
            jax.ShapeDtypeStruct((B, N, K), jnp.int32),
            jax.ShapeDtypeStruct((B, K, N, Csa), jnp.float32),
            jax.ShapeDtypeStruct((1, Csa), jnp.float32),
            jax.ShapeDtypeStruct((1, Csa), jnp.float32),
        ],
    )(pct, centers_coords, pft, ptab, w1aT, w1bT, b1)

    cnt1 = B * K * N
    mu1 = hs[0] / cnt1
    var1 = hss[0] / cnt1 - mu1 * mu1
    rstd1 = jax.lax.rsqrt(var1 + eps)
    sc1 = (sim_g1 * rstd1)[None, :]
    sh1 = (sim_be1 - mu1 * sim_g1 * rstd1)[None, :]

    w_nk, wn = pl.pallas_call(
        functools.partial(_weights_body, K=K),
        grid=grid,
        in_specs=[
            pl.BlockSpec((1, K, TN, Csa), lambda b, t: (b, 0, t, 0)),
            pl.BlockSpec((1, Csa), const),
            pl.BlockSpec((1, Csa), const),
            pl.BlockSpec((Csa, 1), const),
            pl.BlockSpec((1, 1), const),
        ],
        out_specs=[
            pl.BlockSpec((1, TN, K), lambda b, t: (b, t, 0)),
            pl.BlockSpec((1, TN, K), lambda b, t: (b, t, 0)),
        ],
        out_shape=[
            jax.ShapeDtypeStruct((B, N, K), jnp.float32),
            jax.ShapeDtypeStruct((B, N, K), jnp.float32),
        ],
    )(h, sc1, sh1, w2T, b2)

    BN = B * N
    PW = BN // 32
    CP = 128
    NCHUNK = PW // CP
    sc_gather = functools.partial(
        pl.kernel,
        mesh=plsc.VectorSubcoreMesh(core_axis_name="c", subcore_axis_name="s"),
        out_type=jax.ShapeDtypeStruct((BN * K, 128), jnp.float32),
        scratch_types=[
            pltpu.VMEM((8, 128), jnp.int32),
            pltpu.VMEM((512, 128), jnp.float32),
            pltpu.SemaphoreType.DMA,
        ],
    )(functools.partial(_sc_gather_body, K=K, PW=PW, CP=CP, NCHUNK=NCHUNK))
    ctab_pad = jnp.concatenate(
        [ctab.reshape(B * M, Cin),
         jnp.zeros((B * M, 128 - Cin), jnp.float32)], axis=1)
    gath = sc_gather(ctab_pad,
                     idxo.reshape(BN * K // 128, 128)).reshape(B, N, K, 128)

    y_pre, ys, yss = pl.pallas_call(
        functools.partial(_mlp_body, K=K),
        grid=grid,
        in_specs=[
            pl.BlockSpec((1, TN, K, 128), lambda b, t: (b, t, 0, 0)),
            pl.BlockSpec((1, TN, K), lambda b, t: (b, t, 0)),
            pl.BlockSpec((1, TN, Csa), lambda b, t: (b, t, 0)),
            pl.BlockSpec((Cin, Cout), const),
            pl.BlockSpec((Csa, Cout), const),
            pl.BlockSpec((1, Cout), const),
        ],
        out_specs=[
            pl.BlockSpec((1, TN, Cout), lambda b, t: (b, t, 0)),
            pl.BlockSpec((1, Cout), const),
            pl.BlockSpec((1, Cout), const),
        ],
        out_shape=[
            jax.ShapeDtypeStruct((B, N, Cout), jnp.float32),
            jax.ShapeDtypeStruct((1, Cout), jnp.float32),
            jax.ShapeDtypeStruct((1, Cout), jnp.float32),
        ],
    )(gath, wn, pft, w64T, w32T, mb)

    cnt2 = B * N
    mu2 = ys[0] / cnt2
    var2 = yss[0] / cnt2 - mu2 * mu2
    rstd2 = jax.lax.rsqrt(var2 + eps)
    sc2 = (mlp_g * rstd2)[None, :]
    sh2 = (mlp_be - mu2 * mlp_g * rstd2)[None, :]

    y_nk = pl.pallas_call(
        _bn_relu_body,
        grid=grid,
        in_specs=[
            pl.BlockSpec((1, TN, Cout), lambda b, t: (b, t, 0)),
            pl.BlockSpec((1, Cout), const),
            pl.BlockSpec((1, Cout), const),
        ],
        out_specs=pl.BlockSpec((1, Cout, TN), lambda b, t: (b, 0, t)),
        out_shape=jax.ShapeDtypeStruct((B, Cout, N), jnp.float32),
    )(y_pre, sc2, sh2)

    weights = jnp.transpose(w_nk, (0, 2, 1))
    return (y_nk, points_coords, idx, weights)

# --- scband reference (transcript-rebuilt; emitter-appended) ---
"""Pipeline reference for scband-point-net-swfpmodule-65953517797927 (READ-ONLY COPY).

The authoritative reference and input builder live on the scoring server;
editing this copy changes nothing except your own understanding.
"""

import jax, jax.numpy as jnp
import numpy as np

K = 8

def _gather(f, idx):
    # f: [B, C, X], idx: [B, N, K] -> [B, C, K, N]
    g = jax.vmap(lambda fb, ib: fb[:, ib])(f, idx)  # [B, C, N, K]
    return jnp.transpose(g, (0, 1, 3, 2))

def setup_inputs(seed: int = 0) -> dict:
    key = jax.random.key(seed)
    ks = jax.random.split(key, 12)
    B, N, M = 4, 8192, 2048
    Cin, Csa, Cout = 64, 32, 64
    inp = {}
    inp['points_coords'] = jax.random.normal(ks[0], (B, 3, N), dtype=jnp.float32)
    inp['centers_coords'] = jax.random.normal(ks[1], (B, 3, M), dtype=jnp.float32)
    inp['centers_features'] = jax.random.normal(ks[2], (B, Cin, M), dtype=jnp.float32)
    inp['points_features'] = jax.random.normal(ks[3], (B, Csa, N), dtype=jnp.float32)
    # sim network params (1x1 Conv2d weights stored as [out, in])
    inp['sim_w1'] = jax.random.normal(ks[4], (Csa, 2 * Csa), dtype=jnp.float32) * (1.0 / np.sqrt(2 * Csa))
    inp['sim_b1'] = jnp.zeros((Csa,), dtype=jnp.float32)
    inp['sim_g1'] = jnp.ones((Csa,), dtype=jnp.float32)
    inp['sim_be1'] = jnp.zeros((Csa,), dtype=jnp.float32)
    inp['sim_w2'] = jax.random.normal(ks[5], (1, Csa), dtype=jnp.float32) * (1.0 / np.sqrt(Csa))
    inp['sim_b2'] = jnp.zeros((1,), dtype=jnp.float32)
    # SharedMLP (1x1 Conv1d) params: in = in_channels + sa_in_channels = 96
    inp['mlp_w'] = jax.random.normal(ks[6], (Cout, Cin + Csa), dtype=jnp.float32) * (1.0 / np.sqrt(Cin + Csa))
    inp['mlp_b'] = jnp.zeros((Cout,), dtype=jnp.float32)
    inp['mlp_g'] = jnp.ones((Cout,), dtype=jnp.float32)
    inp['mlp_be'] = jnp.zeros((Cout,), dtype=jnp.float32)
    return inp

def reference(points_coords, centers_coords, centers_features, points_features,
              sim_w1, sim_b1, sim_g1, sim_be1, sim_w2, sim_b2,
              mlp_w, mlp_b, mlp_g, mlp_be):
    eps = 1e-5
    # --- k nearest neighbors: for each point, K nearest centers ---
    d = (jnp.sum(points_coords ** 2, axis=1)[:, :, None]
         + jnp.sum(centers_coords ** 2, axis=1)[:, None, :]
         - 2.0 * jnp.einsum('bdn,bdm->bnm', points_coords, centers_coords))  # [B, N, M]
    neg_d, indices = jax.lax.top_k(-d, K)  # indices: [B, N, K]
    # --- grouping of points_features by neighbor indices ---
    features0 = _gather(points_features, indices)                      # [B, Csa, K, N]
    features1 = jnp.broadcast_to(points_features[:, :, None, :], features0.shape)
    x = jnp.concatenate([features0, features1], axis=1)                # [B, 2*Csa, K, N]
    # --- sim: Conv2d(1x1) -> BN2d (train-mode batch stats) -> ReLU -> Conv2d(1x1) -> Sigmoid ---
    h = jnp.einsum('oc,bckn->bokn', sim_w1, x) + sim_b1[None, :, None, None]
    mu = jnp.mean(h, axis=(0, 2, 3))
    var = jnp.var(h, axis=(0, 2, 3))
    h = (h - mu[None, :, None, None]) / jnp.sqrt(var[None, :, None, None] + eps)
    h = h * sim_g1[None, :, None, None] + sim_be1[None, :, None, None]
    h = jax.nn.relu(h)
    s = jnp.einsum('oc,bckn->bokn', sim_w2, h) + sim_b2[None, :, None, None]  # [B, 1, K, N]
    weights = jax.nn.sigmoid(s)[:, 0]                                  # [B, K, N]
    # --- weighted interpolation of centers_features ---
    gc = _gather(centers_features, indices)                            # [B, Cin, K, N]
    wsum = jnp.sum(weights, axis=1)                                    # [B, N]
    interp = jnp.einsum('bjn,bcjn->bcn', weights, gc) / (wsum[:, None, :] + 1e-8)
    # --- concat skip + SharedMLP (Conv1d 1x1 -> BN1d train-mode -> ReLU) ---
    cat = jnp.concatenate([interp, points_features], axis=1)           # [B, Cin+Csa, N]
    y = jnp.einsum('oc,bcn->bon', mlp_w, cat) + mlp_b[None, :, None]
    mu2 = jnp.mean(y, axis=(0, 2))
    var2 = jnp.var(y, axis=(0, 2))
    y = (y - mu2[None, :, None]) / jnp.sqrt(var2[None, :, None] + eps)
    y = y * mlp_g[None, :, None] + mlp_be[None, :, None]
    y = jax.nn.relu(y)
    return (y, points_coords, indices, weights)

if __name__ == "__main__":
    import jax
    _d = setup_inputs()
    print(jax.jit(kernel)(*tuple(_d.values())))

</pallas_src>

<mosaic_0001>
#map = affine_map<(d0, d1) -> (0, 0)>
module attributes {stable_mosaic.version = 14 : i64} {
  func.func @_sc_gather_body(%arg0: i32, %arg1: i32, %arg2: memref<8192x128xf32, #tpu.memory_space<hbm>>, %arg3: memref<2048x128xi32, #tpu.memory_space<hbm>>, %arg4: memref<262144x128xf32, #tpu.memory_space<hbm>>, %arg5: memref<8x128xi32, #tpu.memory_space<vmem>>, %arg6: memref<512x128xf32, #tpu.memory_space<vmem>>, %arg7: memref<!tpu.dma_semaphore, #tpu.memory_space<semaphore_mem>>) attributes {dimension_semantics = [#tpu.dimension_semantics<core_parallel>, #tpu.dimension_semantics<subcore_parallel>], iteration_bounds = array<i64: 2, 16>, scalar_prefetch = 0 : i64, scratch_operands = 3 : i64, tpu.core_type = #tpu.core_type<sc_vector_subcore>, window_params = [{transform_indices = #map}, {transform_indices = #map}, {transform_indices = #map}]} {
    %mul3A = arith.constant 2 : i32
    %mul3A_0 = arith.muli %arg1, %mul3A : i32
    %add3A = arith.addi %mul3A_0, %arg0 : i32
    %scan3A = arith.constant 0 : i32
    %scan3A_1 = arith.constant 0 : i32
    %scan3A_2 = arith.constant 8 : i32
    %scan3A_3 = arith.addi %scan3A_1, %scan3A_2 : i32
    %scan3A_4 = arith.constant 1 : i32
    scf.for %scan3A_6 = %scan3A_1 to %scan3A_3 step %scan3A_4  : i32 {
      %mul3A_7 = arith.constant 1024 : i32
      %mul3A_8 = arith.muli %add3A, %mul3A_7 : i32
      %mul3A_9 = arith.constant 128 : i32
      %mul3A_10 = arith.muli %scan3A_6, %mul3A_9 : i32
      %add3A_11 = arith.addi %mul3A_8, %mul3A_10 : i32
      %multiple_of3A = tpu.assume_multiple %add3A_11, 128 : i32
      %mul3A_12 = arith.constant 8 : i32
      %mul3A_13 = arith.muli %multiple_of3A, %mul3A_12 : i32
      %multiple_of3A_14 = tpu.assume_multiple %mul3A_13, 1024 : i32
      %jit3A = arith.constant 128 : i32
      %div3A = arith.divsi %multiple_of3A_14, %jit3A : i32
      %sign3A = arith.constant 0 : i32
      %sign3A_15 = arith.cmpi sgt, %multiple_of3A_14, %sign3A : i32
      %sign3A_16 = arith.extui %sign3A_15 : i1 to i32
      %sign3A_17 = arith.constant 0 : i32
      %sign3A_18 = arith.cmpi slt, %multiple_of3A_14, %sign3A_17 : i32
      %sign3A_19 = arith.extui %sign3A_18 : i1 to i32
      %sign3A_20 = arith.subi %sign3A_16, %sign3A_19 : i32
      %sign3A_21 = arith.constant 0 : i32
      %sign3A_22 = arith.cmpi sgt, %jit3A, %sign3A_21 : i32
      %sign3A_23 = arith.extui %sign3A_22 : i1 to i32
      %sign3A_24 = arith.constant 0 : i32
      %sign3A_25 = arith.cmpi slt, %jit3A, %sign3A_24 : i32
      %sign3A_26 = arith.extui %sign3A_25 : i1 to i32
      %sign3A_27 = arith.subi %sign3A_23, %sign3A_26 : i32
      %ne3A = arith.cmpi ne, %sign3A_20, %sign3A_27 : i32
      %rem3A = arith.remsi %multiple_of3A_14, %jit3A : i32
      %ne3A_28 = arith.constant 0 : i32
      %ne3A_29 = arith.cmpi ne, %rem3A, %ne3A_28 : i32
      %and3A = arith.andi %ne3A, %ne3A_29 : i1
      %sub3A = arith.constant 1 : i32
      %sub3A_30 = arith.subi %div3A, %sub3A : i32
      %select_n3A = arith.select %and3A, %sub3A_30, %div3A : i32
      %multiple_of3A_31 = tpu.assume_multiple %select_n3A, 8 : i32
      "tpu.region"() ({
        %run_scoped3A = tpu.sem_alloc : memref<!tpu.dma_semaphore, #tpu.memory_space<semaphore_mem>>
        %dma_start3A_196 = arith.constant 0 : i32
        %dma_start3A_197 = tpu.memref_slice %arg3[%multiple_of3A_31, %dma_start3A_196] : memref<2048x128xi32, #tpu.memory_space<hbm>> -> memref<8x128xi32, #tpu.memory_space<hbm>>
        %dma_start3A_198 = arith.constant 0 : i32
        %dma_start3A_199 = tpu.memref_slice %arg3[%multiple_of3A_31, %dma_start3A_198] : memref<2048x128xi32, #tpu.memory_space<hbm>> -> memref<8x128xi32, #tpu.memory_space<hbm>>
        tpu.enqueue_dma source(%dma_start3A_199 : memref<8x128xi32, #tpu.memory_space<hbm>>) target(%arg5 : memref<8x128xi32, #tpu.memory_space<vmem>>) target_semaphore(%run_scoped3A : memref<!tpu.dma_semaphore, #tpu.memory_space<semaphore_mem>>)
        %dma_wait3A_200 = arith.constant 0 : i32
        %dma_wait3A_201 = tpu.memref_slice %arg3[%multiple_of3A_31, %dma_wait3A_200] : memref<2048x128xi32, #tpu.memory_space<hbm>> -> memref<8x128xi32, #tpu.memory_space<hbm>>
        %dma_wait3A_202 = arith.constant 0 : i32
        %dma_wait3A_203 = tpu.memref_slice %arg3[%multiple_of3A_31, %dma_wait3A_202] : memref<2048x128xi32, #tpu.memory_space<hbm>> -> memref<8x128xi32, #tpu.memory_space<hbm>>
        tpu.wait_dma2 semaphore(%run_scoped3A : memref<!tpu.dma_semaphore, #tpu.memory_space<semaphore_mem>>) src(%dma_wait3A_203 : memref<8x128xi32, #tpu.memory_space<hbm>>) dst(%arg5 : memref<8x128xi32, #tpu.memory_space<vmem>>)
        tpu.yield
      }) : () -> ()
      %dma_start3A = arith.constant 0 : i32
      %dma_start3A_32 = arith.constant 0 : i32
      %dma_start3A_33 = arith.constant 0 : i32
      %dma_start3A_34 = tpu.memref_slice %arg6[%dma_start3A_32, %dma_start3A_33] : memref<512x128xf32, #tpu.memory_space<vmem>> -> memref<128x128xf32, #tpu.memory_space<vmem>>
      %dma_start3A_35 = arith.constant 0 : i32
      %dma_start3A_36 = tpu.memref_slice %arg5[%dma_start3A, %dma_start3A_35] : memref<8x128xi32, #tpu.memory_space<vmem>> -> memref<1x128xi32, #tpu.memory_space<vmem>>
      %dma_start3A_37 = tpu.memref_squeeze %dma_start3A_36 : memref<1x128xi32, #tpu.memory_space<vmem>> -> memref<128xi32, #tpu.memory_space<vmem>>
      %dma_start3A_38 = arith.constant 0 : i32
      %dma_start3A_39 = arith.constant 0 : i32
      %dma_start3A_40 = tpu.memref_slice %arg2[%dma_start3A_38, %dma_start3A_39] : memref<8192x128xf32, #tpu.memory_space<hbm>> -> memref<8192x128xf32, #tpu.memory_space<hbm>>
      tpu.enqueue_indirect_dma source(%dma_start3A_40 : memref<8192x128xf32, #tpu.memory_space<hbm>>) target(%dma_start3A_34 : memref<128x128xf32, #tpu.memory_space<vmem>>) offsets(%dma_start3A_37 : memref<128xi32, #tpu.memory_space<vmem>>) semaphore(%arg7 : memref<!tpu.dma_semaphore, #tpu.memory_space<semaphore_mem>>)
      %dma_start3A_41 = arith.constant 1 : i32
      %dma_start3A_42 = arith.constant 128 : i32
      %dma_start3A_43 = arith.constant 0 : i32
      %dma_start3A_44 = tpu.memref_slice %arg6[%dma_start3A_42, %dma_start3A_43] : memref<512x128xf32, #tpu.memory_space<vmem>> -> memref<128x128xf32, #tpu.memory_space<vmem>>
      %dma_start3A_45 = arith.constant 0 : i32
      %dma_start3A_46 = tpu.memref_slice %arg5[%dma_start3A_41, %dma_start3A_45] : memref<8x128xi32, #tpu.memory_space<vmem>> -> memref<1x128xi32, #tpu.memory_space<vmem>>
      %dma_start3A_47 = tpu.memref_squeeze %dma_start3A_46 : memref<1x128xi32, #tpu.memory_space<vmem>> -> memref<128xi32, #tpu.memory_space<vmem>>
      %dma_start3A_48 = arith.constant 0 : i32
      %dma_start3A_49 = arith.constant 0 : i32
      %dma_start3A_50 = tpu.memref_slice %arg2[%dma_start3A_48, %dma_start3A_49] : memref<8192x128xf32, #tpu.memory_space<hbm>> -> memref<8192x128xf32, #tpu.memory_space<hbm>>
      tpu.enqueue_indirect_dma source(%dma_start3A_50 : memref<8192x128xf32, #tpu.memory_space<hbm>>) target(%dma_start3A_44 : memref<128x128xf32, #tpu.memory_space<vmem>>) offsets(%dma_start3A_47 : memref<128xi32, #tpu.memory_space<vmem>>) semaphore(%arg7 : memref<!tpu.dma_semaphore, #tpu.memory_space<semaphore_mem>>)
      %dma_start3A_51 = arith.constant 2 : i32
      %dma_start3A_52 = arith.constant 256 : i32
      %dma_start3A_53 = arith.constant 0 : i32
      %dma_start3A_54 = tpu.memref_slice %arg6[%dma_start3A_52, %dma_start3A_53] : memref<512x128xf32, #tpu.memory_space<vmem>> -> memref<128x128xf32, #tpu.memory_space<vmem>>
      %dma_start3A_55 = arith.constant 0 : i32
      %dma_start3A_56 = tpu.memref_slice %arg5[%dma_start3A_51, %dma_start3A_55] : memref<8x128xi32, #tpu.memory_space<vmem>> -> memref<1x128xi32, #tpu.memory_space<vmem>>
      %dma_start3A_57 = tpu.memref_squeeze %dma_start3A_56 : memref<1x128xi32, #tpu.memory_space<vmem>> -> memref<128xi32, #tpu.memory_space<vmem>>
      %dma_start3A_58 = arith.constant 0 : i32
      %dma_start3A_59 = arith.constant 0 : i32
      %dma_start3A_60 = tpu.memref_slice %arg2[%dma_start3A_58, %dma_start3A_59] : memref<8192x128xf32, #tpu.memory_space<hbm>> -> memref<8192x128xf32, #tpu.memory_space<hbm>>
      tpu.enqueue_indirect_dma source(%dma_start3A_60 : memref<8192x128xf32, #tpu.memory_space<hbm>>) target(%dma_start3A_54 : memref<128x128xf32, #tpu.memory_space<vmem>>) offsets(%dma_start3A_57 : memref<128xi32, #tpu.memory_space<vmem>>) semaphore(%arg7 : memref<!tpu.dma_semaphore, #tpu.memory_space<semaphore_mem>>)
      %dma_start3A_61 = arith.constant 3 : i32
      %dma_start3A_62 = arith.constant 384 : i32
      %dma_start3A_63 = arith.constant 0 : i32
      %dma_start3A_64 = tpu.memref_slice %arg6[%dma_start3A_62, %dma_start3A_63] : memref<512x128xf32, #tpu.memory_space<vmem>> -> memref<128x128xf32, #tpu.memory_space<vmem>>
      %dma_start3A_65 = arith.constant 0 : i32
      %dma_start3A_66 = tpu.memref_slice %arg5[%dma_start3A_61, %dma_start3A_65] : memref<8x128xi32, #tpu.memory_space<vmem>> -> memref<1x128xi32, #tpu.memory_space<vmem>>
      %dma_start3A_67 = tpu.memref_squeeze %dma_start3A_66 : memref<1x128xi32, #tpu.memory_space<vmem>> -> memref<128xi32, #tpu.memory_space<vmem>>
      %dma_start3A_68 = arith.constant 0 : i32
      %dma_start3A_69 = arith.constant 0 : i32
      %dma_start3A_70 = tpu.memref_slice %arg2[%dma_start3A_68, %dma_start3A_69] : memref<8192x128xf32, #tpu.memory_space<hbm>> -> memref<8192x128xf32, #tpu.memory_space<hbm>>
      tpu.enqueue_indirect_dma source(%dma_start3A_70 : memref<8192x128xf32, #tpu.memory_space<hbm>>) target(%dma_start3A_64 : memref<128x128xf32, #tpu.memory_space<vmem>>) offsets(%dma_start3A_67 : memref<128xi32, #tpu.memory_space<vmem>>) semaphore(%arg7 : memref<!tpu.dma_semaphore, #tpu.memory_space<semaphore_mem>>)
      %dma_wait3A = arith.constant 0 : i32
      %dma_wait3A_71 = arith.constant 0 : i32
      %dma_wait3A_72 = arith.constant 0 : i32
      %dma_wait3A_73 = tpu.memref_slice %arg6[%dma_wait3A_71, %dma_wait3A_72] : memref<512x128xf32, #tpu.memory_space<vmem>> -> memref<128x128xf32, #tpu.memory_space<vmem>>
      %dma_wait3A_74 = arith.constant 0 : i32
      %dma_wait3A_75 = tpu.memref_slice %arg5[%dma_wait3A, %dma_wait3A_74] : memref<8x128xi32, #tpu.memory_space<vmem>> -> memref<1x128xi32, #tpu.memory_space<vmem>>
      %dma_wait3A_76 = tpu.memref_squeeze %dma_wait3A_75 : memref<1x128xi32, #tpu.memory_space<vmem>> -> memref<128xi32, #tpu.memory_space<vmem>>
      %dma_wait3A_77 = arith.constant 0 : i32
      %dma_wait3A_78 = arith.constant 0 : i32
      %dma_wait3A_79 = tpu.memref_slice %arg2[%dma_wait3A_77, %dma_wait3A_78] : memref<8192x128xf32, #tpu.memory_space<hbm>> -> memref<8192x128xf32, #tpu.memory_space<hbm>>
      tpu.wait_indirect_dma semaphore(%arg7 : memref<!tpu.dma_semaphore, #tpu.memory_space<semaphore_mem>>) src(%dma_wait3A_79 : memref<8192x128xf32, #tpu.memory_space<hbm>>) dst(%dma_wait3A_73 : memref<128x128xf32, #tpu.memory_space<vmem>>)
      %dma_wait3A_80 = arith.constant 1 : i32
      %dma_wait3A_81 = arith.constant 128 : i32
      %dma_wait3A_82 = arith.constant 0 : i32
      %dma_wait3A_83 = tpu.memref_slice %arg6[%dma_wait3A_81, %dma_wait3A_82] : memref<512x128xf32, #tpu.memory_space<vmem>> -> memref<128x128xf32, #tpu.memory_space<vmem>>
      %dma_wait3A_84 = arith.constant 0 : i32
      %dma_wait3A_85 = tpu.memref_slice %arg5[%dma_wait3A_80, %dma_wait3A_84] : memref<8x128xi32, #tpu.memory_space<vmem>> -> memref<1x128xi32, #tpu.memory_space<vmem>>
      %dma_wait3A_86 = tpu.memref_squeeze %dma_wait3A_85 : memref<1x128xi32, #tpu.memory_space<vmem>> -> memref<128xi32, #tpu.memory_space<vmem>>
      %dma_wait3A_87 = arith.constant 0 : i32
      %dma_wait3A_88 = arith.constant 0 : i32
      %dma_wait3A_89 = tpu.memref_slice %arg2[%dma_wait3A_87, %dma_wait3A_88] : memref<8192x128xf32, #tpu.memory_space<hbm>> -> memref<8192x128xf32, #tpu.memory_space<hbm>>
      tpu.wait_indirect_dma semaphore(%arg7 : memref<!tpu.dma_semaphore, #tpu.memory_space<semaphore_mem>>) src(%dma_wait3A_89 : memref<8192x128xf32, #tpu.memory_space<hbm>>) dst(%dma_wait3A_83 : memref<128x128xf32, #tpu.memory_space<vmem>>)
      %dma_wait3A_90 = arith.constant 2 : i32
      %dma_wait3A_91 = arith.constant 256 : i32
      %dma_wait3A_92 = arith.constant 0 : i32
      %dma_wait3A_93 = tpu.memref_slice %arg6[%dma_wait3A_91, %dma_wait3A_92] : memref<512x128xf32, #tpu.memory_space<vmem>> -> memref<128x128xf32, #tpu.memory_space<vmem>>
      %dma_wait3A_94 = arith.constant 0 : i32
      %dma_wait3A_95 = tpu.memref_slice %arg5[%dma_wait3A_90, %dma_wait3A_94] : memref<8x128xi32, #tpu.memory_space<vmem>> -> memref<1x128xi32, #tpu.memory_space<vmem>>
      %dma_wait3A_96 = tpu.memref_squeeze %dma_wait3A_95 : memref<1x128xi32, #tpu.memory_space<vmem>> -> memref<128xi32, #tpu.memory_space<vmem>>
      %dma_wait3A_97 = arith.constant 0 : i32
      %dma_wait3A_98 = arith.constant 0 : i32
      %dma_wait3A_99 = tpu.memref_slice %arg2[%dma_wait3A_97, %dma_wait3A_98] : memref<8192x128xf32, #tpu.memory_space<hbm>> -> memref<8192x128xf32, #tpu.memory_space<hbm>>
      tpu.wait_indirect_dma semaphore(%arg7 : memref<!tpu.dma_semaphore, #tpu.memory_space<semaphore_mem>>) src(%dma_wait3A_99 : memref<8192x128xf32, #tpu.memory_space<hbm>>) dst(%dma_wait3A_93 : memref<128x128xf32, #tpu.memory_space<vmem>>)
      %dma_wait3A_100 = arith.constant 3 : i32
      %dma_wait3A_101 = arith.constant 384 : i32
      %dma_wait3A_102 = arith.constant 0 : i32
      %dma_wait3A_103 = tpu.memref_slice %arg6[%dma_wait3A_101, %dma_wait3A_102] : memref<512x128xf32, #tpu.memory_space<vmem>> -> memref<128x128xf32, #tpu.memory_space<vmem>>
      %dma_wait3A_104 = arith.constant 0 : i32
      %dma_wait3A_105 = tpu.memref_slice %arg5[%dma_wait3A_100, %dma_wait3A_104] : memref<8x128xi32, #tpu.memory_space<vmem>> -> memref<1x128xi32, #tpu.memory_space<vmem>>
      %dma_wait3A_106 = tpu.memref_squeeze %dma_wait3A_105 : memref<1x128xi32, #tpu.memory_space<vmem>> -> memref<128xi32, #tpu.memory_space<vmem>>
      %dma_wait3A_107 = arith.constant 0 : i32
      %dma_wait3A_108 = arith.constant 0 : i32
      %dma_wait3A_109 = tpu.memref_slice %arg2[%dma_wait3A_107, %dma_wait3A_108] : memref<8192x128xf32, #tpu.memory_space<hbm>> -> memref<8192x128xf32, #tpu.memory_space<hbm>>
      tpu.wait_indirect_dma semaphore(%arg7 : memref<!tpu.dma_semaphore, #tpu.memory_space<semaphore_mem>>) src(%dma_wait3A_109 : memref<8192x128xf32, #tpu.memory_space<hbm>>) dst(%dma_wait3A_103 : memref<128x128xf32, #tpu.memory_space<vmem>>)
      %add3A_110 = arith.constant 0 : i32
      %add3A_111 = arith.addi %multiple_of3A_14, %add3A_110 : i32
      %multiple_of3A_112 = tpu.assume_multiple %add3A_111, 512 : i32
      "tpu.region"() ({
        %run_scoped3A = tpu.sem_alloc : memref<!tpu.dma_semaphore, #tpu.memory_space<semaphore_mem>>
        %dma_start3A_196 = arith.constant 0 : i32
        %dma_start3A_197 = tpu.memref_slice %arg4[%multiple_of3A_112, %dma_start3A_196] : memref<262144x128xf32, #tpu.memory_space<hbm>> -> memref<512x128xf32, #tpu.memory_space<hbm>>
        %dma_start3A_198 = arith.constant 0 : i32
        %dma_start3A_199 = tpu.memref_slice %arg4[%multiple_of3A_112, %dma_start3A_198] : memref<262144x128xf32, #tpu.memory_space<hbm>> -> memref<512x128xf32, #tpu.memory_space<hbm>>
        tpu.enqueue_dma source(%arg6 : memref<512x128xf32, #tpu.memory_space<vmem>>) target(%dma_start3A_199 : memref<512x128xf32, #tpu.memory_space<hbm>>) target_semaphore(%run_scoped3A : memref<!tpu.dma_semaphore, #tpu.memory_space<semaphore_mem>>)
        %dma_wait3A_200 = arith.constant 0 : i32
        %dma_wait3A_201 = tpu.memref_slice %arg4[%multiple_of3A_112, %dma_wait3A_200] : memref<262144x128xf32, #tpu.memory_space<hbm>> -> memref<512x128xf32, #tpu.memory_space<hbm>>
        %dma_wait3A_202 = arith.constant 0 : i32
        %dma_wait3A_203 = tpu.memref_slice %arg4[%multiple_of3A_112, %dma_wait3A_202] : memref<262144x128xf32, #tpu.memory_space<hbm>> -> memref<512x128xf32, #tpu.memory_space<hbm>>
        tpu.wait_dma2 semaphore(%run_scoped3A : memref<!tpu.dma_semaphore, #tpu.memory_space<semaphore_mem>>) src(%arg6 : memref<512x128xf32, #tpu.memory_space<vmem>>) dst(%dma_wait3A_203 : memref<512x128xf32, #tpu.memory_space<hbm>>)
        tpu.yield
      }) : () -> ()
      %dma_start3A_113 = arith.constant 4 : i32
      %dma_start3A_114 = arith.constant 0 : i32
      %dma_start3A_115 = arith.constant 0 : i32
      %dma_start3A_116 = tpu.memref_slice %arg6[%dma_start3A_114, %dma_start3A_115] : memref<512x128xf32, #tpu.memory_space<vmem>> -> memref<128x128xf32, #tpu.memory_space<vmem>>
      %dma_start3A_117 = arith.constant 0 : i32
      %dma_start3A_118 = tpu.memref_slice %arg5[%dma_start3A_113, %dma_start3A_117] : memref<8x128xi32, #tpu.memory_space<vmem>> -> memref<1x128xi32, #tpu.memory_space<vmem>>
      %dma_start3A_119 = tpu.memref_squeeze %dma_start3A_118 : memref<1x128xi32, #tpu.memory_space<vmem>> -> memref<128xi32, #tpu.memory_space<vmem>>
      %dma_start3A_120 = arith.constant 0 : i32
      %dma_start3A_121 = arith.constant 0 : i32
      %dma_start3A_122 = tpu.memref_slice %arg2[%dma_start3A_120, %dma_start3A_121] : memref<8192x128xf32, #tpu.memory_space<hbm>> -> memref<8192x128xf32, #tpu.memory_space<hbm>>
      tpu.enqueue_indirect_dma source(%dma_start3A_122 : memref<8192x128xf32, #tpu.memory_space<hbm>>) target(%dma_start3A_116 : memref<128x128xf32, #tpu.memory_space<vmem>>) offsets(%dma_start3A_119 : memref<128xi32, #tpu.memory_space<vmem>>) semaphore(%arg7 : memref<!tpu.dma_semaphore, #tpu.memory_space<semaphore_mem>>)
      %dma_start3A_123 = arith.constant 5 : i32
      %dma_start3A_124 = arith.constant 128 : i32
      %dma_start3A_125 = arith.constant 0 : i32
      %dma_start3A_126 = tpu.memref_slice %arg6[%dma_start3A_124, %dma_start3A_125] : memref<512x128xf32, #tpu.memory_space<vmem>> -> memref<128x128xf32, #tpu.memory_space<vmem>>
      %dma_start3A_127 = arith.constant 0 : i32
      %dma_start3A_128 = tpu.memref_slice %arg5[%dma_start3A_123, %dma_start3A_127] : memref<8x128xi32, #tpu.memory_space<vmem>> -> memref<1x128xi32, #tpu.memory_space<vmem>>
      %dma_start3A_129 = tpu.memref_squeeze %dma_start3A_128 : memref<1x128xi32, #tpu.memory_space<vmem>> -> memref<128xi32, #tpu.memory_space<vmem>>
      %dma_start3A_130 = arith.constant 0 : i32
      %dma_start3A_131 = arith.constant 0 : i32
      %dma_start3A_132 = tpu.memref_slice %arg2[%dma_start3A_130, %dma_start3A_131] : memref<8192x128xf32, #tpu.memory_space<hbm>> -> memref<8192x128xf32, #tpu.memory_space<hbm>>
      tpu.enqueue_indirect_dma source(%dma_start3A_132 : memref<8192x128xf32, #tpu.memory_space<hbm>>) target(%dma_start3A_126 : memref<128x128xf32, #tpu.memory_space<vmem>>) offsets(%dma_start3A_129 : memref<128xi32, #tpu.memory_space<vmem>>) semaphore(%arg7 : memref<!tpu.dma_semaphore, #tpu.memory_space<semaphore_mem>>)
      %dma_start3A_133 = arith.constant 6 : i32
      %dma_start3A_134 = arith.constant 256 : i32
      %dma_start3A_135 = arith.constant 0 : i32
      %dma_start3A_136 = tpu.memref_slice %arg6[%dma_start3A_134, %dma_start3A_135] : memref<512x128xf32, #tpu.memory_space<vmem>> -> memref<128x128xf32, #tpu.memory_space<vmem>>
      %dma_start3A_137 = arith.constant 0 : i32
      %dma_start3A_138 = tpu.memref_slice %arg5[%dma_start3A_133, %dma_start3A_137] : memref<8x128xi32, #tpu.memory_space<vmem>> -> memref<1x128xi32, #tpu.memory_space<vmem>>
      %dma_start3A_139 = tpu.memref_squeeze %dma_start3A_138 : memref<1x128xi32, #tpu.memory_space<vmem>> -> memref<128xi32, #tpu.memory_space<vmem>>
      %dma_start3A_140 = arith.constant 0 : i32
      %dma_start3A_141 = arith.constant 0 : i32
      %dma_start3A_142 = tpu.memref_slice %arg2[%dma_start3A_140, %dma_start3A_141] : memref<8192x128xf32, #tpu.memory_space<hbm>> -> memref<8192x128xf32, #tpu.memory_space<hbm>>
      tpu.enqueue_indirect_dma source(%dma_start3A_142 : memref<8192x128xf32, #tpu.memory_space<hbm>>) target(%dma_start3A_136 : memref<128x128xf32, #tpu.memory_space<vmem>>) offsets(%dma_start3A_139 : memref<128xi32, #tpu.memory_space<vmem>>) semaphore(%arg7 : memref<!tpu.dma_semaphore, #tpu.memory_space<semaphore_mem>>)
      %dma_start3A_143 = arith.constant 7 : i32
      %dma_start3A_144 = arith.constant 384 : i32
      %dma_start3A_145 = arith.constant 0 : i32
      %dma_start3A_146 = tpu.memref_slice %arg6[%dma_start3A_144, %dma_start3A_145] : memref<512x128xf32, #tpu.memory_space<vmem>> -> memref<128x128xf32, #tpu.memory_space<vmem>>
      %dma_start3A_147 = arith.constant 0 : i32
      %dma_start3A_148 = tpu.memref_slice %arg5[%dma_start3A_143, %dma_start3A_147] : memref<8x128xi32, #tpu.memory_space<vmem>> -> memref<1x128xi32, #tpu.memory_space<vmem>>
      %dma_start3A_149 = tpu.memref_squeeze %dma_start3A_148 : memref<1x128xi32, #tpu.memory_space<vmem>> -> memref<128xi32, #tpu.memory_space<vmem>>
      %dma_start3A_150 = arith.constant 0 : i32
      %dma_start3A_151 = arith.constant 0 : i32
      %dma_start3A_152 = tpu.memref_slice %arg2[%dma_start3A_150, %dma_start3A_151] : memref<8192x128xf32, #tpu.memory_space<hbm>> -> memref<8192x128xf32, #tpu.memory_space<hbm>>
      tpu.enqueue_indirect_dma source(%dma_start3A_152 : memref<8192x128xf32, #tpu.memory_space<hbm>>) target(%dma_start3A_146 : memref<128x128xf32, #tpu.memory_space<vmem>>) offsets(%dma_start3A_149 : memref<128xi32, #tpu.memory_space<vmem>>) semaphore(%arg7 : memref<!tpu.dma_semaphore, #tpu.memory_space<semaphore_mem>>)
      %dma_wait3A_153 = arith.constant 4 : i32
      %dma_wait3A_154 = arith.constant 0 : i32
      %dma_wait3A_155 = arith.constant 0 : i32
      %dma_wait3A_156 = tpu.memref_slice %arg6[%dma_wait3A_154, %dma_wait3A_155] : memref<512x128xf32, #tpu.memory_space<vmem>> -> memref<128x128xf32, #tpu.memory_space<vmem>>
      %dma_wait3A_157 = arith.constant 0 : i32
      %dma_wait3A_158 = tpu.memref_slice %arg5[%dma_wait3A_153, %dma_wait3A_157] : memref<8x128xi32, #tpu.memory_space<vmem>> -> memref<1x128xi32, #tpu.memory_space<vmem>>
      %dma_wait3A_159 = tpu.memref_squeeze %dma_wait3A_158 : memref<1x128xi32, #tpu.memory_space<vmem>> -> memref<128xi32, #tpu.memory_space<vmem>>
      %dma_wait3A_160 = arith.constant 0 : i32
      %dma_wait3A_161 = arith.constant 0 : i32
      %dma_wait3A_162 = tpu.memref_slice %arg2[%dma_wait3A_160, %dma_wait3A_161] : memref<8192x128xf32, #tpu.memory_space<hbm>> -> memref<8192x128xf32, #tpu.memory_space<hbm>>
      tpu.wait_indirect_dma semaphore(%arg7 : memref<!tpu.dma_semaphore, #tpu.memory_space<semaphore_mem>>) src(%dma_wait3A_162 : memref<8192x128xf32, #tpu.memory_space<hbm>>) dst(%dma_wait3A_156 : memref<128x128xf32, #tpu.memory_space<vmem>>)
      %dma_wait3A_163 = arith.constant 5 : i32
      %dma_wait3A_164 = arith.constant 128 : i32
      %dma_wait3A_165 = arith.constant 0 : i32
      %dma_wait3A_166 = tpu.memref_slice %arg6[%dma_wait3A_164, %dma_wait3A_165] : memref<512x128xf32, #tpu.memory_space<vmem>> -> memref<128x128xf32, #tpu.memory_space<vmem>>
      %dma_wait3A_167 = arith.constant 0 : i32
      %dma_wait3A_168 = tpu.memref_slice %arg5[%dma_wait3A_163, %dma_wait3A_167] : memref<8x128xi32, #tpu.memory_space<vmem>> -> memref<1x128xi32, #tpu.memory_space<vmem>>
      %dma_wait3A_169 = tpu.memref_squeeze %dma_wait3A_168 : memref<1x128xi32, #tpu.memory_space<vmem>> -> memref<128xi32, #tpu.memory_space<vmem>>
      %dma_wait3A_170 = arith.constant 0 : i32
      %dma_wait3A_171 = arith.constant 0 : i32
      %dma_wait3A_172 = tpu.memref_slice %arg2[%dma_wait3A_170, %dma_wait3A_171] : memref<8192x128xf32, #tpu.memory_space<hbm>> -> memref<8192x128xf32, #tpu.memory_space<hbm>>
      tpu.wait_indirect_dma semaphore(%arg7 : memref<!tpu.dma_semaphore, #tpu.memory_space<semaphore_mem>>) src(%dma_wait3A_172 : memref<8192x128xf32, #tpu.memory_space<hbm>>) dst(%dma_wait3A_166 : memref<128x128xf32, #tpu.memory_space<vmem>>)
      %dma_wait3A_173 = arith.constant 6 : i32
      %dma_wait3A_174 = arith.constant 256 : i32
      %dma_wait3A_175 = arith.constant 0 : i32
      %dma_wait3A_176 = tpu.memref_slice %arg6[%dma_wait3A_174, %dma_wait3A_175] : memref<512x128xf32, #tpu.memory_space<vmem>> -> memref<128x128xf32, #tpu.memory_space<vmem>>
      %dma_wait3A_177 = arith.constant 0 : i32
      %dma_wait3A_178 = tpu.memref_slice %arg5[%dma_wait3A_173, %dma_wait3A_177] : memref<8x128xi32, #tpu.memory_space<vmem>> -> memref<1x128xi32, #tpu.memory_space<vmem>>
      %dma_wait3A_179 = tpu.memref_squeeze %dma_wait3A_178 : memref<1x128xi32, #tpu.memory_space<vmem>> -> memref<128xi32, #tpu.memory_space<vmem>>
      %dma_wait3A_180 = arith.constant 0 : i32
      %dma_wait3A_181 = arith.constant 0 : i32
      %dma_wait3A_182 = tpu.memref_slice %arg2[%dma_wait3A_180, %dma_wait3A_181] : memref<8192x128xf32, #tpu.memory_space<hbm>> -> memref<8192x128xf32, #tpu.memory_space<hbm>>
      tpu.wait_indirect_dma semaphore(%arg7 : memref<!tpu.dma_semaphore, #tpu.memory_space<semaphore_mem>>) src(%dma_wait3A_182 : memref<8192x128xf32, #tpu.memory_space<hbm>>) dst(%dma_wait3A_176 : memref<128x128xf32, #tpu.memory_space<vmem>>)
      %dma_wait3A_183 = arith.constant 7 : i32
      %dma_wait3A_184 = arith.constant 384 : i32
      %dma_wait3A_185 = arith.constant 0 : i32
      %dma_wait3A_186 = tpu.memref_slice %arg6[%dma_wait3A_184, %dma_wait3A_185] : memref<512x128xf32, #tpu.memory_space<vmem>> -> memref<128x128xf32, #tpu.memory_space<vmem>>
      %dma_wait3A_187 = arith.constant 0 : i32
      %dma_wait3A_188 = tpu.memref_slice %arg5[%dma_wait3A_183, %dma_wait3A_187] : memref<8x128xi32, #tpu.memory_space<vmem>> -> memref<1x128xi32, #tpu.memory_space<vmem>>
      %dma_wait3A_189 = tpu.memref_squeeze %dma_wait3A_188 : memref<1x128xi32, #tpu.memory_space<vmem>> -> memref<128xi32, #tpu.memory_space<vmem>>
      %dma_wait3A_190 = arith.constant 0 : i32
      %dma_wait3A_191 = arith.constant 0 : i32
      %dma_wait3A_192 = tpu.memref_slice %arg2[%dma_wait3A_190, %dma_wait3A_191] : memref<8192x128xf32, #tpu.memory_space<hbm>> -> memref<8192x128xf32, #tpu.memory_space<hbm>>
      tpu.wait_indirect_dma semaphore(%arg7 : memref<!tpu.dma_semaphore, #tpu.memory_space<semaphore_mem>>) src(%dma_wait3A_192 : memref<8192x128xf32, #tpu.memory_space<hbm>>) dst(%dma_wait3A_186 : memref<128x128xf32, #tpu.memory_space<vmem>>)
      %add3A_193 = arith.constant 512 : i32
      %add3A_194 = arith.addi %multiple_of3A_14, %add3A_193 : i32
      %multiple_of3A_195 = tpu.assume_multiple %add3A_194, 512 : i32
      "tpu.region"() ({
        %run_scoped3A = tpu.sem_alloc : memref<!tpu.dma_semaphore, #tpu.memory_space<semaphore_mem>>
        %dma_start3A_196 = arith.constant 0 : i32
        %dma_start3A_197 = tpu.memref_slice %arg4[%multiple_of3A_195, %dma_start3A_196] : memref<262144x128xf32, #tpu.memory_space<hbm>> -> memref<512x128xf32, #tpu.memory_space<hbm>>
        %dma_start3A_198 = arith.constant 0 : i32
        %dma_start3A_199 = tpu.memref_slice %arg4[%multiple_of3A_195, %dma_start3A_198] : memref<262144x128xf32, #tpu.memory_space<hbm>> -> memref<512x128xf32, #tpu.memory_space<hbm>>
        tpu.enqueue_dma source(%arg6 : memref<512x128xf32, #tpu.memory_space<vmem>>) target(%dma_start3A_199 : memref<512x128xf32, #tpu.memory_space<hbm>>) target_semaphore(%run_scoped3A : memref<!tpu.dma_semaphore, #tpu.memory_space<semaphore_mem>>)
        %dma_wait3A_200 = arith.constant 0 : i32
        %dma_wait3A_201 = tpu.memref_slice %arg4[%multiple_of3A_195, %dma_wait3A_200] : memref<262144x128xf32, #tpu.memory_space<hbm>> -> memref<512x128xf32, #tpu.memory_space<hbm>>
        %dma_wait3A_202 = arith.constant 0 : i32
        %dma_wait3A_203 = tpu.memref_slice %arg4[%multiple_of3A_195, %dma_wait3A_202] : memref<262144x128xf32, #tpu.memory_space<hbm>> -> memref<512x128xf32, #tpu.memory_space<hbm>>
        tpu.wait_dma2 semaphore(%run_scoped3A : memref<!tpu.dma_semaphore, #tpu.memory_space<semaphore_mem>>) src(%arg6 : memref<512x128xf32, #tpu.memory_space<vmem>>) dst(%dma_wait3A_203 : memref<512x128xf32, #tpu.memory_space<hbm>>)
        tpu.yield
      }) : () -> ()
    }
    %scan3A_5 = arith.constant 8 : i32
    return
  }
}

module attributes {stable_mosaic.version = 14 : i64} {
  func.func @_knn_h_body(%arg0: i32, %arg1: i32, %arg2: memref<1x512x3xf32, #tpu.memory_space<vmem>>, %arg3: memref<1x3x2048xf32, #tpu.memory_space<vmem>>, %arg4: memref<1x512x32xf32, #tpu.memory_space<vmem>>, %arg5: memref<1x2048x32xf32, #tpu.memory_space<vmem>>, %arg6: memref<32x32xf32, #tpu.memory_space<vmem>>, %arg7: memref<32x32xf32, #tpu.memory_space<vmem>>, %arg8: memref<1x32xf32, #tpu.memory_space<vmem>>, %arg9: memref<1x512x8xi32, #tpu.memory_space<vmem>>, %arg10: memref<1x512x8xi32, #tpu.memory_space<vmem>>, %arg11: memref<1x8x512x32xf32, #tpu.memory_space<vmem>>, %arg12: memref<1x32xf32, #tpu.memory_space<vmem>>, %arg13: memref<1x32xf32, #tpu.memory_space<vmem>>) attributes {dimension_semantics = [#tpu.dimension_semantics<arbitrary>, #tpu.dimension_semantics<arbitrary>], iteration_bounds = array<i64: 4, 16>, scalar_prefetch = 0 : i64, scratch_operands = 0 : i64, tpu.core_type = #tpu.core_type<tc>, window_params = [{transform_indices = @transform_0, window_bounds = array<i64: 1, 512, 3>}, {transform_indices = @transform_1, window_bounds = array<i64: 1, 3, 2048>}, {transform_indices = @transform_2, window_bounds = array<i64: 1, 512, 32>}, {transform_indices = @transform_3, window_bounds = array<i64: 1, 2048, 32>}, {pipeline_mode = #tpu.pipeline_mode<synchronous>, transform_indices = @transform_4, window_bounds = array<i64: 32, 32>}, {pipeline_mode = #tpu.pipeline_mode<synchronous>, transform_indices = @transform_5, window_bounds = array<i64: 32, 32>}, {pipeline_mode = #tpu.pipeline_mode<synchronous>, transform_indices = @transform_6, window_bounds = array<i64: 1, 32>}, {transform_indices = @transform_7, window_bounds = array<i64: 1, 512, 8>}, {transform_indices = @transform_8, window_bounds = array<i64: 1, 512, 8>}, {transform_indices = @transform_9, window_bounds = array<i64: 1, 8, 512, 32>}, {pipeline_mode = #tpu.pipeline_mode<synchronous>, transform_indices = @transform_10, window_bounds = array<i64: 1, 32>}, {pipeline_mode = #tpu.pipeline_mode<synchronous>, transform_indices = @transform_11, window_bounds = array<i64: 1, 32>}]} {
    %get3A = arith.constant 0 : index
    %get3A_0 = arith.constant 0 : index
    %get3A_1 = arith.constant 0 : index
    %get3A_2 = vector.load %arg2[%get3A, %get3A_0, %get3A_1] : memref<1x512x3xf32, #tpu.memory_space<vmem>>, vector<1x512x3xf32>
    %get3A_3 = vector.shape_cast %get3A_2 : vector<1x512x3xf32> to vector<512x3xf32>
    %get3A_4 = arith.constant 0 : index
    %get3A_5 = arith.constant 0 : index
    %get3A_6 = arith.constant 0 : index
    %get3A_7 = vector.load %arg3[%get3A_4, %get3A_5, %get3A_6] : memref<1x3x2048xf32, #tpu.memory_space<vmem>>, vector<1x3x2048xf32>
    %get3A_8 = vector.shape_cast %get3A_7 : vector<1x3x2048xf32> to vector<3x2048xf32>
    %mul3A = arith.mulf %get3A_3, %get3A_3 : vector<512x3xf32>
    %reduce_sum3A = arith.constant dense<0.000000e+00> : vector<512xf32>
    %reduce_sum3A_9 = vector.multi_reduction <add>, %mul3A, %reduce_sum3A [1] : vector<512x3xf32> to vector<512xf32>
    %broadcast_in_dim3A = vector.shape_cast %reduce_sum3A_9 : vector<512xf32> to vector<512x1xf32>
    %mul3A_10 = arith.mulf %get3A_8, %get3A_8 : vector<3x2048xf32>
    %reduce_sum3A_11 = arith.constant dense<0.000000e+00> : vector<2048xf32>
    %reduce_sum3A_12 = vector.multi_reduction <add>, %mul3A_10, %reduce_sum3A_11 [0] : vector<3x2048xf32> to vector<2048xf32>
    %broadcast_in_dim3A_13 = vector.shape_cast %reduce_sum3A_12 : vector<2048xf32> to vector<1x2048xf32>
    %add3A = vector.broadcast %broadcast_in_dim3A : vector<512x1xf32> to vector<512x2048xf32>
    %add3A_14 = vector.broadcast %broadcast_in_dim3A_13 : vector<1x2048xf32> to vector<512x2048xf32>
    %add3A_15 = arith.addf %add3A, %add3A_14 : vector<512x2048xf32>
    %dot_general3A = arith.constant dense<0.000000e+00> : vector<512x2048xf32>
    %dot_general3A_16 = tpu.matmul %get3A_3, %get3A_8, %dot_general3A {dimension_numbers = #tpu.dot_dimension_numbers<[1], [0], [0], [1], [0, 0, 1, 1], [], []>, transpose_lhs_hint = false} : vector<512x3xf32>, vector<3x2048xf32>, vector<512x2048xf32> -> vector<512x2048xf32>
    %mul3A_17 = arith.constant 2.000000e+00 : f32
    %mul3A_18 = vector.broadcast %mul3A_17 : f32 to vector<512x2048xf32>
    %mul3A_19 = arith.mulf %mul3A_18, %dot_general3A_16 : vector<512x2048xf32>
    %sub3A = arith.subf %add3A_15, %mul3A_19 : vector<512x2048xf32>
    %get3A_20 = arith.constant 0 : index
    %get3A_21 = arith.constant 0 : index
    %get3A_22 = arith.constant 0 : index
    %get3A_23 = vector.load %arg5[%get3A_20, %get3A_21, %get3A_22] : memref<1x2048x32xf32, #tpu.memory_space<vmem>>, vector<1x2048x32xf32>
    %get3A_24 = vector.shape_cast %get3A_23 : vector<1x2048x32xf32> to vector<2048x32xf32>
    %get3A_25 = arith.constant 0 : index
    %get3A_26 = arith.constant 0 : index
    %get3A_27 = vector.load %arg6[%get3A_25, %get3A_26] : memref<32x32xf32, #tpu.memory_space<vmem>>, vector<32x32xf32>
    %dot_general3A_28 = arith.constant dense<0.000000e+00> : vector<2048x32xf32>
    %dot_general3A_29 = tpu.matmul %get3A_24, %get3A_27, %dot_general3A_28 {dimension_numbers = #tpu.dot_dimension_numbers<[1], [0], [0], [1], [0, 0, 1, 1], [], []>, transpose_lhs_hint = false} : vector<2048x32xf32>, vector<32x32xf32>, vector<2048x32xf32> -> vector<2048x32xf32>
    %get3A_30 = arith.constant 0 : index
    %get3A_31 = arith.constant 0 : index
    %get3A_32 = arith.constant 0 : index
    %get3A_33 = vector.load %arg4[%get3A_30, %get3A_31, %get3A_32] : memref<1x512x32xf32, #tpu.memory_space<vmem>>, vector<1x512x32xf32>
    %get3A_34 = vector.shape_cast %get3A_33 : vector<1x512x32xf32> to vector<512x32xf32>
    %get3A_35 = arith.constant 0 : index
    %get3A_36 = arith.constant 0 : index
    %get3A_37 = vector.load %arg7[%get3A_35, %get3A_36] : memref<32x32xf32, #tpu.memory_space<vmem>>, vector<32x32xf32>
    %dot_general3A_38 = arith.constant dense<0.000000e+00> : vector<512x32xf32>
    %dot_general3A_39 = tpu.matmul %get3A_34, %get3A_37, %dot_general3A_38 {dimension_numbers = #tpu.dot_dimension_numbers<[1], [0], [0], [1], [0, 0, 1, 1], [], []>, transpose_lhs_hint = false} : vector<512x32xf32>, vector<32x32xf32>, vector<512x32xf32> -> vector<512x32xf32>
    %get3A_40 = arith.constant 0 : index
    %get3A_41 = arith.constant 0 : index
    %get3A_42 = vector.load %arg8[%get3A_40, %get3A_41] : memref<1x32xf32, #tpu.memory_space<vmem>>, vector<1x32xf32>
    %add3A_43 = vector.broadcast %get3A_42 : vector<1x32xf32> to vector<512x32xf32>
    %add3A_44 = arith.addf %dot_general3A_39, %add3A_43 : vector<512x32xf32>
    %iota3A = tpu.iota {dimensions = array<i32: 1>} : vector<512x2048xi32>
    %convert_element_type3A = arith.sitofp %iota3A : vector<512x2048xi32> to vector<512x2048xf32>
    %broadcast_in_dim3A_45 = arith.constant 0.000000e+00 : f32
    %broadcast_in_dim3A_46 = vector.broadcast %broadcast_in_dim3A_45 : f32 to vector<1x32xf32>
    %broadcast_in_dim3A_47 = arith.constant 0.000000e+00 : f32
    %broadcast_in_dim3A_48 = vector.broadcast %broadcast_in_dim3A_47 : f32 to vector<1x32xf32>
    %reduce_min3A = arith.constant dense<0x7F800000> : vector<512xf32>
    %reduce_min3A_49 = vector.multi_reduction <minimumf>, %sub3A, %reduce_min3A [1] : vector<512x2048xf32> to vector<512xf32>
    %broadcast_in_dim3A_50 = vector.shape_cast %reduce_min3A_49 : vector<512xf32> to vector<512x1xf32>
    %eq3A = vector.broadcast %broadcast_in_dim3A_50 : vector<512x1xf32> to vector<512x2048xf32>
    %eq3A_51 = arith.cmpf oeq, %sub3A, %eq3A : vector<512x2048xf32>
    %jit3A = arith.constant 2.048000e+03 : f32
    %broadcast_in_dim3A_52 = vector.broadcast %jit3A : f32 to vector<512x2048xf32>
    %select_n3A = arith.select %eq3A_51, %convert_element_type3A, %broadcast_in_dim3A_52 : vector<512x2048xi1>, vector<512x2048xf32>
    %reduce_min3A_53 = arith.constant dense<0x7F800000> : vector<512xf32>
    %reduce_min3A_54 = vector.multi_reduction <minimumf>, %select_n3A, %reduce_min3A_53 [1] : vector<512x2048xf32> to vector<512xf32>
    %broadcast_in_dim3A_55 = vector.shape_cast %reduce_min3A_54 : vector<512xf32> to vector<512x1xf32>
    %eq3A_56 = vector.broadcast %broadcast_in_dim3A_55 : vector<512x1xf32> to vector<512x2048xf32>
    %eq3A_57 = arith.cmpf oeq, %convert_element_type3A, %eq3A_56 : vector<512x2048xf32>
    %convert_element_type3A_58 = arith.extui %eq3A_57 : vector<512x2048xi1> to vector<512x2048xi32>
    %convert_element_type3A_59 = arith.sitofp %convert_element_type3A_58 : vector<512x2048xi32> to vector<512x2048xf32>
    %dot_general3A_60 = arith.constant dense<0.000000e+00> : vector<512x32xf32>
    %dot_general3A_61 = tpu.matmul %convert_element_type3A_59, %dot_general3A_29, %dot_general3A_60 {dimension_numbers = #tpu.dot_dimension_numbers<[1], [0], [0], [1], [0, 0, 1, 1], [], []>, transpose_lhs_hint = false} : vector<512x2048xf32>, vector<2048x32xf32>, vector<512x32xf32> -> vector<512x32xf32>
    %add3A_62 = arith.addf %dot_general3A_61, %add3A_44 : vector<512x32xf32>
    %swap3A = arith.constant 0 : index
    %swap3A_63 = arith.constant 0 : index
    %swap3A_64 = arith.constant 0 : index
    %swap3A_65 = arith.constant 0 : index
    %swap3A_66 = vector.load %arg11[%swap3A, %swap3A_63, %swap3A_64, %swap3A_65] : memref<1x8x512x32xf32, #tpu.memory_space<vmem>>, vector<1x1x512x32xf32>
    %swap3A_67 = vector.shape_cast %swap3A_66 : vector<1x1x512x32xf32> to vector<512x32xf32>
    %swap3A_68 = vector.shape_cast %add3A_62 : vector<512x32xf32> to vector<1x1x512x32xf32>
    tpu.vector_store %arg11[%swap3A, %swap3A_63, %swap3A_64, %swap3A_65], %swap3A_68 {strides = array<i32>} : memref<1x8x512x32xf32, #tpu.memory_space<vmem>>, vector<1x1x512x32xf32>,
    %reduce_sum3A_69 = arith.constant dense<0.000000e+00> : vector<32xf32>
    %reduce_sum3A_70 = vector.multi_reduction <add>, %add3A_62, %reduce_sum3A_69 [0] : vector<512x32xf32> to vector<32xf32>
    %broadcast_in_dim3A_71 = vector.shape_cast %reduce_sum3A_70 : vector<32xf32> to vector<1x32xf32>
    %add3A_72 = arith.addf %broadcast_in_dim3A_46, %broadcast_in_dim3A_71 : vector<1x32xf32>
    %mul3A_73 = arith.mulf %add3A_62, %add3A_62 : vector<512x32xf32>
    %reduce_sum3A_74 = arith.constant dense<0.000000e+00> : vector<32xf32>
    %reduce_sum3A_75 = vector.multi_reduction <add>, %mul3A_73, %reduce_sum3A_74 [0] : vector<512x32xf32> to vector<32xf32>
    %broadcast_in_dim3A_76 = vector.shape_cast %reduce_sum3A_75 : vector<32xf32> to vector<1x32xf32>
    %add3A_77 = arith.addf %broadcast_in_dim3A_48, %broadcast_in_dim3A_76 : vector<1x32xf32>
    %jit3A_78 = arith.constant 0x7F800000 : f32
    %broadcast_in_dim3A_79 = vector.broadcast %jit3A_78 : f32 to vector<512x2048xf32>
    %select_n3A_80 = arith.select %eq3A_57, %broadcast_in_dim3A_79, %sub3A : vector<512x2048xi1>, vector<512x2048xf32>
    %reduce_min3A_81 = arith.constant dense<0x7F800000> : vector<512xf32>
    %reduce_min3A_82 = vector.multi_reduction <minimumf>, %select_n3A_80, %reduce_min3A_81 [1] : vector<512x2048xf32> to vector<512xf32>
    %broadcast_in_dim3A_83 = vector.shape_cast %reduce_min3A_82 : vector<512xf32> to vector<512x1xf32>
    %eq3A_84 = vector.broadcast %broadcast_in_dim3A_83 : vector<512x1xf32> to vector<512x2048xf32>
    %eq3A_85 = arith.cmpf oeq, %select_n3A_80, %eq3A_84 : vector<512x2048xf32>
    %jit3A_86 = arith.constant 2.048000e+03 : f32
    %broadcast_in_dim3A_87 = vector.broadcast %jit3A_86 : f32 to vector<512x2048xf32>
    %select_n3A_88 = arith.select %eq3A_85, %convert_element_type3A, %broadcast_in_dim3A_87 : vector<512x2048xi1>, vector<512x2048xf32>
    %reduce_min3A_89 = arith.constant dense<0x7F800000> : vector<512xf32>
    %reduce_min3A_90 = vector.multi_reduction <minimumf>, %select_n3A_88, %reduce_min3A_89 [1] : vector<512x2048xf32> to vector<512xf32>
    %broadcast_in_dim3A_91 = vector.shape_cast %reduce_min3A_90 : vector<512xf32> to vector<512x1xf32>
    %eq3A_92 = vector.broadcast %broadcast_in_dim3A_91 : vector<512x1xf32> to vector<512x2048xf32>
    %eq3A_93 = arith.cmpf oeq, %convert_element_type3A, %eq3A_92 : vector<512x2048xf32>
    %convert_element_type3A_94 = arith.extui %eq3A_93 : vector<512x2048xi1> to vector<512x2048xi32>
    %convert_element_type3A_95 = arith.sitofp %convert_element_type3A_94 : vector<512x2048xi32> to vector<512x2048xf32>
    %dot_general3A_96 = arith.constant dense<0.000000e+00> : vector<512x32xf32>
    %dot_general3A_97 = tpu.matmul %convert_element_type3A_95, %dot_general3A_29, %dot_general3A_96 {dimension_numbers = #tpu.dot_dimension_numbers<[1], [0], [0], [1], [0, 0, 1, 1], [], []>, transpose_lhs_hint = false} : vector<512x2048xf32>, vector<2048x32xf32>, vector<512x32xf32> -> vector<512x32xf32>
    %add3A_98 = arith.addf %dot_general3A_97, %add3A_44 : vector<512x32xf32>
    %swap3A_99 = arith.constant 0 : index
    %swap3A_100 = arith.constant 1 : index
    %swap3A_101 = arith.constant 0 : index
    %swap3A_102 = arith.constant 0 : index
    %swap3A_103 = vector.load %arg11[%swap3A_99, %swap3A_100, %swap3A_101, %swap3A_102] : memref<1x8x512x32xf32, #tpu.memory_space<vmem>>, vector<1x1x512x32xf32>
    %swap3A_104 = vector.shape_cast %swap3A_103 : vector<1x1x512x32xf32> to vector<512x32xf32>
    %swap3A_105 = vector.shape_cast %add3A_98 : vector<512x32xf32> to vector<1x1x512x32xf32>
    tpu.vector_store %arg11[%swap3A_99, %swap3A_100, %swap3A_101, %swap3A_102], %swap3A_105 {strides = array<i32>} : memref<1x8x512x32xf32, #tpu.memory_space<vmem>>, vector<1x1x512x32xf32>,
    %reduce_sum3A_106 = arith.constant dense<0.000000e+00> : vector<32xf32>
    %reduce_sum3A_107 = vector.multi_reduction <add>, %add3A_98, %reduce_sum3A_106 [0] : vector<512x32xf32> to vector<32xf32>
    %broadcast_in_dim3A_108 = vector.shape_cast %reduce_sum3A_107 : vector<32xf32> to vector<1x32xf32>
    %add3A_109 = arith.addf %add3A_72, %broadcast_in_dim3A_108 : vector<1x32xf32>
    %mul3A_110 = arith.mulf %add3A_98, %add3A_98 : vector<512x32xf32>
    %reduce_sum3A_111 = arith.constant dense<0.000000e+00> : vector<32xf32>
    %reduce_sum3A_112 = vector.multi_reduction <add>, %mul3A_110, %reduce_sum3A_111 [0] : vector<512x32xf32> to vector<32xf32>
    %broadcast_in_dim3A_113 = vector.shape_cast %reduce_sum3A_112 : vector<32xf32> to vector<1x32xf32>
    %add3A_114 = arith.addf %add3A_77, %broadcast_in_dim3A_113 : vector<1x32xf32>
    %jit3A_115 = arith.constant 0x7F800000 : f32
    %broadcast_in_dim3A_116 = vector.broadcast %jit3A_115 : f32 to vector<512x2048xf32>
    %select_n3A_117 = arith.select %eq3A_93, %broadcast_in_dim3A_116, %select_n3A_80 : vector<512x2048xi1>, vector<512x2048xf32>
    %reduce_min3A_118 = arith.constant dense<0x7F800000> : vector<512xf32>
    %reduce_min3A_119 = vector.multi_reduction <minimumf>, %select_n3A_117, %reduce_min3A_118 [1] : vector<512x2048xf32> to vector<512xf32>
    %broadcast_in_dim3A_120 = vector.shape_cast %reduce_min3A_119 : vector<512xf32> to vector<512x1xf32>
    %eq3A_121 = vector.broadcast %broadcast_in_dim3A_120 : vector<512x1xf32> to vector<512x2048xf32>
    %eq3A_122 = arith.cmpf oeq, %select_n3A_117, %eq3A_121 : vector<512x2048xf32>
    %jit3A_123 = arith.constant 2.048000e+03 : f32
    %broadcast_in_dim3A_124 = vector.broadcast %jit3A_123 : f32 to vector<512x2048xf32>
    %select_n3A_125 = arith.select %eq3A_122, %convert_element_type3A, %broadcast_in_dim3A_124 : vector<512x2048xi1>, vector<512x2048xf32>
    %reduce_min3A_126 = arith.constant dense<0x7F800000> : vector<512xf32>
    %reduce_min3A_127 = vector.multi_reduction <minimumf>, %select_n3A_125, %reduce_min3A_126 [1] : vector<512x2048xf32> to vector<512xf32>
    %broadcast_in_dim3A_128 = vector.shape_cast %reduce_min3A_127 : vector<512xf32> to vector<512x1xf32>
    %eq3A_129 = vector.broadcast %broadcast_in_dim3A_128 : vector<512x1xf32> to vector<512x2048xf32>
    %eq3A_130 = arith.cmpf oeq, %convert_element_type3A, %eq3A_129 : vector<512x2048xf32>
    %convert_element_type3A_131 = arith.extui %eq3A_130 : vector<512x2048xi1> to vector<512x2048xi32>
    %convert_element_type3A_132 = arith.sitofp %convert_element_type3A_131 : vector<512x2048xi32> to vector<512x2048xf32>
    %dot_general3A_133 = arith.constant dense<0.000000e+00> : vector<512x32xf32>
    %dot_general3A_134 = tpu.matmul %convert_element_type3A_132, %dot_general3A_29, %dot_general3A_133 {dimension_numbers = #tpu.dot_dimension_numbers<[1], [0], [0], [1], [0, 0, 1, 1], [], []>, transpose_lhs_hint = false} : vector<512x2048xf32>, vector<2048x32xf32>, vector<512x32xf32> -> vector<512x32xf32>
    %add3A_135 = arith.addf %dot_general3A_134, %add3A_44 : vector<512x32xf32>
    %swap3A_136 = arith.constant 0 : index
    %swap3A_137 = arith.constant 2 : index
    %swap3A_138 = arith.constant 0 : index
    %swap3A_139 = arith.constant 0 : index
    %swap3A_140 = vector.load %arg11[%swap3A_136, %swap3A_137, %swap3A_138, %swap3A_139] : memref<1x8x512x32xf32, #tpu.memory_space<vmem>>, vector<1x1x512x32xf32>
    %swap3A_141 = vector.shape_cast %swap3A_140 : vector<1x1x512x32xf32> to vector<512x32xf32>
    %swap3A_142 = vector.shape_cast %add3A_135 : vector<512x32xf32> to vector<1x1x512x32xf32>
    tpu.vector_store %arg11[%swap3A_136, %swap3A_137, %swap3A_138, %swap3A_139], %swap3A_142 {strides = array<i32>} : memref<1x8x512x32xf32, #tpu.memory_space<vmem>>, vector<1x1x512x32xf32>,
    %reduce_sum3A_143 = arith.constant dense<0.000000e+00> : vector<32xf32>
    %reduce_sum3A_144 = vector.multi_reduction <add>, %add3A_135, %reduce_sum3A_143 [0] : vector<512x32xf32> to vector<32xf32>
    %broadcast_in_dim3A_145 = vector.shape_cast %reduce_sum3A_144 : vector<32xf32> to vector<1x32xf32>
    %add3A_146 = arith.addf %add3A_109, %broadcast_in_dim3A_145 : vector<1x32xf32>
    %mul3A_147 = arith.mulf %add3A_135, %add3A_135 : vector<512x32xf32>
    %reduce_sum3A_148 = arith.constant dense<0.000000e+00> : vector<32xf32>
    %reduce_sum3A_149 = vector.multi_reduction <add>, %mul3A_147, %reduce_sum3A_148 [0] : vector<512x32xf32> to vector<32xf32>
    %broadcast_in_dim3A_150 = vector.shape_cast %reduce_sum3A_149 : vector<32xf32> to vector<1x32xf32>
    %add3A_151 = arith.addf %add3A_114, %broadcast_in_dim3A_150 : vector<1x32xf32>
    %jit3A_152 = arith.constant 0x7F800000 : f32
    %broadcast_in_dim3A_153 = vector.broadcast %jit3A_152 : f32 to vector<512x2048xf32>
    %select_n3A_154 = arith.select %eq3A_130, %broadcast_in_dim3A_153, %select_n3A_117 : vector<512x2048xi1>, vector<512x2048xf32>
    %reduce_min3A_155 = arith.constant dense<0x7F800000> : vector<512xf32>
    %reduce_min3A_156 = vector.multi_reduction <minimumf>, %select_n3A_154, %reduce_min3A_155 [1] : vector<512x2048xf32> to vector<512xf32>
    %broadcast_in_dim3A_157 = vector.shape_cast %reduce_min3A_156 : vector<512xf32> to vector<512x1xf32>
    %eq3A_158 = vector.broadcast %broadcast_in_dim3A_157 : vector<512x1xf32> to vector<512x2048xf32>
    %eq3A_159 = arith.cmpf oeq, %select_n3A_154, %eq3A_158 : vector<512x2048xf32>
    %jit3A_160 = arith.constant 2.048000e+03 : f32
    %broadcast_in_dim3A_161 = vector.broadcast %jit3A_160 : f32 to vector<512x2048xf32>
    %select_n3A_162 = arith.select %eq3A_159, %convert_element_type3A, %broadcast_in_dim3A_161 : vector<512x2048xi1>, vector<512x2048xf32>
    %reduce_min3A_163 = arith.constant dense<0x7F800000> : vector<512xf32>
    %reduce_min3A_164 = vector.multi_reduction <minimumf>, %select_n3A_162, %reduce_min3A_163 [1] : vector<512x2048xf32> to vector<512xf32>
    %broadcast_in_dim3A_165 = vector.shape_cast %reduce_min3A_164 : vector<512xf32> to vector<512x1xf32>
    %eq3A_166 = vector.broadcast %broadcast_in_dim3A_165 : vector<512x1xf32> to vector<512x2048xf32>
    %eq3A_167 = arith.cmpf oeq, %convert_element_type3A, %eq3A_166 : vector<512x2048xf32>
    %convert_element_type3A_168 = arith.extui %eq3A_167 : vector<512x2048xi1> to vector<512x2048xi32>
    %convert_element_type3A_169 = arith.sitofp %convert_element_type3A_168 : vector<512x2048xi32> to vector<512x2048xf32>
    %dot_general3A_170 = arith.constant dense<0.000000e+00> : vector<512x32xf32>
    %dot_general3A_171 = tpu.matmul %convert_element_type3A_169, %dot_general3A_29, %dot_general3A_170 {dimension_numbers = #tpu.dot_dimension_numbers<[1], [0], [0], [1], [0, 0, 1, 1], [], []>, transpose_lhs_hint = false} : vector<512x2048xf32>, vector<2048x32xf32>, vector<512x32xf32> -> vector<512x32xf32>
    %add3A_172 = arith.addf %dot_general3A_171, %add3A_44 : vector<512x32xf32>
    %swap3A_173 = arith.constant 0 : index
    %swap3A_174 = arith.constant 3 : index
    %swap3A_175 = arith.constant 0 : index
    %swap3A_176 = arith.constant 0 : index
    %swap3A_177 = vector.load %arg11[%swap3A_173, %swap3A_174, %swap3A_175, %swap3A_176] : memref<1x8x512x32xf32, #tpu.memory_space<vmem>>, vector<1x1x512x32xf32>
    %swap3A_178 = vector.shape_cast %swap3A_177 : vector<1x1x512x32xf32> to vector<512x32xf32>
    %swap3A_179 = vector.shape_cast %add3A_172 : vector<512x32xf32> to vector<1x1x512x32xf32>
    tpu.vector_store %arg11[%swap3A_173, %swap3A_174, %swap3A_175, %swap3A_176], %swap3A_179 {strides = array<i32>} : memref<1x8x512x32xf32, #tpu.memory_space<vmem>>, vector<1x1x512x32xf32>,
    %reduce_sum3A_180 = arith.constant dense<0.000000e+00> : vector<32xf32>
    %reduce_sum3A_181 = vector.multi_reduction <add>, %add3A_172, %reduce_sum3A_180 [0] : vector<512x32xf32> to vector<32xf32>
    %broadcast_in_dim3A_182 = vector.shape_cast %reduce_sum3A_181 : vector<32xf32> to vector<1x32xf32>
    %add3A_183 = arith.addf %add3A_146, %broadcast_in_dim3A_182 : vector<1x32xf32>
    %mul3A_184 = arith.mulf %add3A_172, %add3A_172 : vector<512x32xf32>
    %reduce_sum3A_185 = arith.constant dense<0.000000e+00> : vector<32xf32>
    %reduce_sum3A_186 = vector.multi_reduction <add>, %mul3A_184, %reduce_sum3A_185 [0] : vector<512x32xf32> to vector<32xf32>
    %broadcast_in_dim3A_187 = vector.shape_cast %reduce_sum3A_186 : vector<32xf32> to vector<1x32xf32>
    %add3A_188 = arith.addf %add3A_151, %broadcast_in_dim3A_187 : vector<1x32xf32>
    %jit3A_189 = arith.constant 0x7F800000 : f32
    %broadcast_in_dim3A_190 = vector.broadcast %jit3A_189 : f32 to vector<512x2048xf32>
    %select_n3A_191 = arith.select %eq3A_167, %broadcast_in_dim3A_190, %select_n3A_154 : vector<512x2048xi1>, vector<512x2048xf32>
    %reduce_min3A_192 = arith.constant dense<0x7F800000> : vector<512xf32>
    %reduce_min3A_193 = vector.multi_reduction <minimumf>, %select_n3A_191, %reduce_min3A_192 [1] : vector<512x2048xf32> to vector<512xf32>
    %broadcast_in_dim3A_194 = vector.shape_cast %reduce_min3A_193 : vector<512xf32> to vector<512x1xf32>
    %eq3A_195 = vector.broadcast %broadcast_in_dim3A_194 : vector<512x1xf32> to vector<512x2048xf32>
    %eq3A_196 = arith.cmpf oeq, %select_n3A_191, %eq3A_195 : vector<512x2048xf32>
    %jit3A_197 = arith.constant 2.048000e+03 : f32
    %broadcast_in_dim3A_198 = vector.broadcast %jit3A_197 : f32 to vector<512x2048xf32>
    %select_n3A_199 = arith.select %eq3A_196, %convert_element_type3A, %broadcast_in_dim3A_198 : vector<512x2048xi1>, vector<512x2048xf32>
    %reduce_min3A_200 = arith.constant dense<0x7F800000> : vector<512xf32>
    %reduce_min3A_201 = vector.multi_reduction <minimumf>, %select_n3A_199, %reduce_min3A_200 [1] : vector<512x2048xf32> to vector<512xf32>
    %broadcast_in_dim3A_202 = vector.shape_cast %reduce_min3A_201 : vector<512xf32> to vector<512x1xf32>
    %eq3A_203 = vector.broadcast %broadcast_in_dim3A_202 : vector<512x1xf32> to vector<512x2048xf32>
    %eq3A_204 = arith.cmpf oeq, %convert_element_type3A, %eq3A_203 : vector<512x2048xf32>
    %convert_element_type3A_205 = arith.extui %eq3A_204 : vector<512x2048xi1> to vector<512x2048xi32>
    %convert_element_type3A_206 = arith.sitofp %convert_element_type3A_205 : vector<512x2048xi32> to vector<512x2048xf32>
    %dot_general3A_207 = arith.constant dense<0.000000e+00> : vector<512x32xf32>
    %dot_general3A_208 = tpu.matmul %convert_element_type3A_206, %dot_general3A_29, %dot_general3A_207 {dimension_numbers = #tpu.dot_dimension_numbers<[1], [0], [0], [1], [0, 0, 1, 1], [], []>, transpose_lhs_hint = false} : vector<512x2048xf32>, vector<2048x32xf32>, vector<512x32xf32> -> vector<512x32xf32>
    %add3A_209 = arith.addf %dot_general3A_208, %add3A_44 : vector<512x32xf32>
    %swap3A_210 = arith.constant 0 : index
    %swap3A_211 = arith.constant 4 : index
    %swap3A_212 = arith.constant 0 : index
    %swap3A_213 = arith.constant 0 : index
    %swap3A_214 = vector.load %arg11[%swap3A_210, %swap3A_211, %swap3A_212, %swap3A_213] : memref<1x8x512x32xf32, #tpu.memory_space<vmem>>, vector<1x1x512x32xf32>
    %swap3A_215 = vector.shape_cast %swap3A_214 : vector<1x1x512x32xf32> to vector<512x32xf32>
    %swap3A_216 = vector.shape_cast %add3A_209 : vector<512x32xf32> to vector<1x1x512x32xf32>
    tpu.vector_store %arg11[%swap3A_210, %swap3A_211, %swap3A_212, %swap3A_213], %swap3A_216 {strides = array<i32>} : memref<1x8x512x32xf32, #tpu.memory_space<vmem>>, vector<1x1x512x32xf32>,
    %reduce_sum3A_217 = arith.constant dense<0.000000e+00> : vector<32xf32>
    %reduce_sum3A_218 = vector.multi_reduction <add>, %add3A_209, %reduce_sum3A_217 [0] : vector<512x32xf32> to vector<32xf32>
    %broadcast_in_dim3A_219 = vector.shape_cast %reduce_sum3A_218 : vector<32xf32> to vector<1x32xf32>
    %add3A_220 = arith.addf %add3A_183, %broadcast_in_dim3A_219 : vector<1x32xf32>
    %mul3A_221 = arith.mulf %add3A_209, %add3A_209 : vector<512x32xf32>
    %reduce_sum3A_222 = arith.constant dense<0.000000e+00> : vector<32xf32>
    %reduce_sum3A_223 = vector.multi_reduction <add>, %mul3A_221, %reduce_sum3A_222 [0] : vector<512x32xf32> to vector<32xf32>
    %broadcast_in_dim3A_224 = vector.shape_cast %reduce_sum3A_223 : vector<32xf32> to vector<1x32xf32>
    %add3A_225 = arith.addf %add3A_188, %broadcast_in_dim3A_224 : vector<1x32xf32>
    %jit3A_226 = arith.constant 0x7F800000 : f32
    %broadcast_in_dim3A_227 = vector.broadcast %jit3A_226 : f32 to vector<512x2048xf32>
    %select_n3A_228 = arith.select %eq3A_204, %broadcast_in_dim3A_227, %select_n3A_191 : vector<512x2048xi1>, vector<512x2048xf32>
    %reduce_min3A_229 = arith.constant dense<0x7F800000> : vector<512xf32>
    %reduce_min3A_230 = vector.multi_reduction <minimumf>, %select_n3A_228, %reduce_min3A_229 [1] : vector<512x2048xf32> to vector<512xf32>
    %broadcast_in_dim3A_231 = vector.shape_cast %reduce_min3A_230 : vector<512xf32> to vector<512x1xf32>
    %eq3A_232 = vector.broadcast %broadcast_in_dim3A_231 : vector<512x1xf32> to vector<512x2048xf32>
    %eq3A_233 = arith.cmpf oeq, %select_n3A_228, %eq3A_232 : vector<512x2048xf32>
    %jit3A_234 = arith.constant 2.048000e+03 : f32
    %broadcast_in_dim3A_235 = vector.broadcast %jit3A_234 : f32 to vector<512x2048xf32>
    %select_n3A_236 = arith.select %eq3A_233, %convert_element_type3A, %broadcast_in_dim3A_235 : vector<512x2048xi1>, vector<512x2048xf32>
    %reduce_min3A_237 = arith.constant dense<0x7F800000> : vector<512xf32>
    %reduce_min3A_238 = vector.multi_reduction <minimumf>, %select_n3A_236, %reduce_min3A_237 [1] : vector<512x2048xf32> to vector<512xf32>
    %broadcast_in_dim3A_239 = vector.shape_cast %reduce_min3A_238 : vector<512xf32> to vector<512x1xf32>
    %eq3A_240 = vector.broadcast %broadcast_in_dim3A_239 : vector<512x1xf32> to vector<512x2048xf32>
    %eq3A_241 = arith.cmpf oeq, %convert_element_type3A, %eq3A_240 : vector<512x2048xf32>
    %convert_element_type3A_242 = arith.extui %eq3A_241 : vector<512x2048xi1> to vector<512x2048xi32>
    %convert_element_type3A_243 = arith.sitofp %convert_element_type3A_242 : vector<512x2048xi32> to vector<512x2048xf32>
    %dot_general3A_244 = arith.constant dense<0.000000e+00> : vector<512x32xf32>
    %dot_general3A_245 = tpu.matmul %convert_element_type3A_243, %dot_general3A_29, %dot_general3A_244 {dimension_numbers = #tpu.dot_dimension_numbers<[1], [0], [0], [1], [0, 0, 1, 1], [], []>, transpose_lhs_hint = false} : vector<512x2048xf32>, vector<2048x32xf32>, vector<512x32xf32> -> vector<512x32xf32>
    %add3A_246 = arith.addf %dot_general3A_245, %add3A_44 : vector<512x32xf32>
    %swap3A_247 = arith.constant 0 : index
    %swap3A_248 = arith.constant 5 : index
    %swap3A_249 = arith.constant 0 : index
    %swap3A_250 = arith.constant 0 : index
    %swap3A_251 = vector.load %arg11[%swap3A_247, %swap3A_248, %swap3A_249, %swap3A_250] : memref<1x8x512x32xf32, #tpu.memory_space<vmem>>, vector<1x1x512x32xf32>
    %swap3A_252 = vector.shape_cast %swap3A_251 : vector<1x1x512x32xf32> to vector<512x32xf32>
    %swap3A_253 = vector.shape_cast %add3A_246 : vector<512x32xf32> to vector<1x1x512x32xf32>
    tpu.vector_store %arg11[%swap3A_247, %swap3A_248, %swap3A_249, %swap3A_250], %swap3A_253 {strides = array<i32>} : memref<1x8x512x32xf32, #tpu.memory_space<vmem>>, vector<1x1x512x32xf32>,
    %reduce_sum3A_254 = arith.constant dense<0.000000e+00> : vector<32xf32>
    %reduce_sum3A_255 = vector.multi_reduction <add>, %add3A_246, %reduce_sum3A_254 [0] : vector<512x32xf32> to vector<32xf32>
    %broadcast_in_dim3A_256 = vector.shape_cast %reduce_sum3A_255 : vector<32xf32> to vector<1x32xf32>
    %add3A_257 = arith.addf %add3A_220, %broadcast_in_dim3A_256 : vector<1x32xf32>
    %mul3A_258 = arith.mulf %add3A_246, %add3A_246 : vector<512x32xf32>
    %reduce_sum3A_259 = arith.constant dense<0.000000e+00> : vector<32xf32>
    %reduce_sum3A_260 = vector.multi_reduction <add>, %mul3A_258, %reduce_sum3A_259 [0] : vector<512x32xf32> to vector<32xf32>
    %broadcast_in_dim3A_261 = vector.shape_cast %reduce_sum3A_260 : vector<32xf32> to vector<1x32xf32>
    %add3A_262 = arith.addf %add3A_225, %broadcast_in_dim3A_261 : vector<1x32xf32>
    %jit3A_263 = arith.constant 0x7F800000 : f32
    %broadcast_in_dim3A_264 = vector.broadcast %jit3A_263 : f32 to vector<512x2048xf32>
    %select_n3A_265 = arith.select %eq3A_241, %broadcast_in_dim3A_264, %select_n3A_228 : vector<512x2048xi1>, vector<512x2048xf32>
    %reduce_min3A_266 = arith.constant dense<0x7F800000> : vector<512xf32>
    %reduce_min3A_267 = vector.multi_reduction <minimumf>, %select_n3A_265, %reduce_min3A_266 [1] : vector<512x2048xf32> to vector<512xf32>
    %broadcast_in_dim3A_268 = vector.shape_cast %reduce_min3A_267 : vector<512xf32> to vector<512x1xf32>
    %eq3A_269 = vector.broadcast %broadcast_in_dim3A_268 : vector<512x1xf32> to vector<512x2048xf32>
    %eq3A_270 = arith.cmpf oeq, %select_n3A_265, %eq3A_269 : vector<512x2048xf32>
    %jit3A_271 = arith.constant 2.048000e+03 : f32
    %broadcast_in_dim3A_272 = vector.broadcast %jit3A_271 : f32 to vector<512x2048xf32>
    %select_n3A_273 = arith.select %eq3A_270, %convert_element_type3A, %broadcast_in_dim3A_272 : vector<512x2048xi1>, vector<512x2048xf32>
    %reduce_min3A_274 = arith.constant dense<0x7F800000> : vector<512xf32>
    %reduce_min3A_275 = vector.multi_reduction <minimumf>, %select_n3A_273, %reduce_min3A_274 [1] : vector<512x2048xf32> to vector<512xf32>
    %broadcast_in_dim3A_276 = vector.shape_cast %reduce_min3A_275 : vector<512xf32> to vector<512x1xf32>
    %eq3A_277 = vector.broadcast %broadcast_in_dim3A_276 : vector<512x1xf32> to vector<512x2048xf32>
    %eq3A_278 = arith.cmpf oeq, %convert_element_type3A, %eq3A_277 : vector<512x2048xf32>
    %convert_element_type3A_279 = arith.extui %eq3A_278 : vector<512x2048xi1> to vector<512x2048xi32>
    %convert_element_type3A_280 = arith.sitofp %convert_element_type3A_279 : vector<512x2048xi32> to vector<512x2048xf32>
    %dot_general3A_281 = arith.constant dense<0.000000e+00> : vector<512x32xf32>
    %dot_general3A_282 = tpu.matmul %convert_element_type3A_280, %dot_general3A_29, %dot_general3A_281 {dimension_numbers = #tpu.dot_dimension_numbers<[1], [0], [0], [1], [0, 0, 1, 1], [], []>, transpose_lhs_hint = false} : vector<512x2048xf32>, vector<2048x32xf32>, vector<512x32xf32> -> vector<512x32xf32>
    %add3A_283 = arith.addf %dot_general3A_282, %add3A_44 : vector<512x32xf32>
    %swap3A_284 = arith.constant 0 : index
    %swap3A_285 = arith.constant 6 : index
    %swap3A_286 = arith.constant 0 : index
    %swap3A_287 = arith.constant 0 : index
    %swap3A_288 = vector.load %arg11[%swap3A_284, %swap3A_285, %swap3A_286, %swap3A_287] : memref<1x8x512x32xf32, #tpu.memory_space<vmem>>, vector<1x1x512x32xf32>
    %swap3A_289 = vector.shape_cast %swap3A_288 : vector<1x1x512x32xf32> to vector<512x32xf32>
    %swap3A_290 = vector.shape_cast %add3A_283 : vector<512x32xf32> to vector<1x1x512x32xf32>
    tpu.vector_store %arg11[%swap3A_284, %swap3A_285, %swap3A_286, %swap3A_287], %swap3A_290 {strides = array<i32>} : memref<1x8x512x32xf32, #tpu.memory_space<vmem>>, vector<1x1x512x32xf32>,
    %reduce_sum3A_291 = arith.constant dense<0.000000e+00> : vector<32xf32>
    %reduce_sum3A_292 = vector.multi_reduction <add>, %add3A_283, %reduce_sum3A_291 [0] : vector<512x32xf32> to vector<32xf32>
    %broadcast_in_dim3A_293 = vector.shape_cast %reduce_sum3A_292 : vector<32xf32> to vector<1x32xf32>
    %add3A_294 = arith.addf %add3A_257, %broadcast_in_dim3A_293 : vector<1x32xf32>
    %mul3A_295 = arith.mulf %add3A_283, %add3A_283 : vector<512x32xf32>
    %reduce_sum3A_296 = arith.constant dense<0.000000e+00> : vector<32xf32>
    %reduce_sum3A_297 = vector.multi_reduction <add>, %mul3A_295, %reduce_sum3A_296 [0] : vector<512x32xf32> to vector<32xf32>
    %broadcast_in_dim3A_298 = vector.shape_cast %reduce_sum3A_297 : vector<32xf32> to vector<1x32xf32>
    %add3A_299 = arith.addf %add3A_262, %broadcast_in_dim3A_298 : vector<1x32xf32>
    %jit3A_300 = arith.constant 0x7F800000 : f32
    %broadcast_in_dim3A_301 = vector.broadcast %jit3A_300 : f32 to vector<512x2048xf32>
    %select_n3A_302 = arith.select %eq3A_278, %broadcast_in_dim3A_301, %select_n3A_265 : vector<512x2048xi1>, vector<512x2048xf32>
    %reduce_min3A_303 = arith.constant dense<0x7F800000> : vector<512xf32>
    %reduce_min3A_304 = vector.multi_reduction <minimumf>, %select_n3A_302, %reduce_min3A_303 [1] : vector<512x2048xf32> to vector<512xf32>
    %broadcast_in_dim3A_305 = vector.shape_cast %reduce_min3A_304 : vector<512xf32> to vector<512x1xf32>
    %eq3A_306 = vector.broadcast %broadcast_in_dim3A_305 : vector<512x1xf32> to vector<512x2048xf32>
    %eq3A_307 = arith.cmpf oeq, %select_n3A_302, %eq3A_306 : vector<512x2048xf32>
    %jit3A_308 = arith.constant 2.048000e+03 : f32
    %broadcast_in_dim3A_309 = vector.broadcast %jit3A_308 : f32 to vector<512x2048xf32>
    %select_n3A_310 = arith.select %eq3A_307, %convert_element_type3A, %broadcast_in_dim3A_309 : vector<512x2048xi1>, vector<512x2048xf32>
    %reduce_min3A_311 = arith.constant dense<0x7F800000> : vector<512xf32>
    %reduce_min3A_312 = vector.multi_reduction <minimumf>, %select_n3A_310, %reduce_min3A_311 [1] : vector<512x2048xf32> to vector<512xf32>
    %broadcast_in_dim3A_313 = vector.shape_cast %reduce_min3A_312 : vector<512xf32> to vector<512x1xf32>
    %eq3A_314 = vector.broadcast %broadcast_in_dim3A_313 : vector<512x1xf32> to vector<512x2048xf32>
    %eq3A_315 = arith.cmpf oeq, %convert_element_type3A, %eq3A_314 : vector<512x2048xf32>
    %convert_element_type3A_316 = arith.extui %eq3A_315 : vector<512x2048xi1> to vector<512x2048xi32>
    %convert_element_type3A_317 = arith.sitofp %convert_element_type3A_316 : vector<512x2048xi32> to vector<512x2048xf32>
    %dot_general3A_318 = arith.constant dense<0.000000e+00> : vector<512x32xf32>
    %dot_general3A_319 = tpu.matmul %convert_element_type3A_317, %dot_general3A_29, %dot_general3A_318 {dimension_numbers = #tpu.dot_dimension_numbers<[1], [0], [0], [1], [0, 0, 1, 1], [], []>, transpose_lhs_hint = false} : vector<512x2048xf32>, vector<2048x32xf32>, vector<512x32xf32> -> vector<512x32xf32>
    %add3A_320 = arith.addf %dot_general3A_319, %add3A_44 : vector<512x32xf32>
    %swap3A_321 = arith.constant 0 : index
    %swap3A_322 = arith.constant 7 : index
    %swap3A_323 = arith.constant 0 : index
    %swap3A_324 = arith.constant 0 : index
    %swap3A_325 = vector.load %arg11[%swap3A_321, %swap3A_322, %swap3A_323, %swap3A_324] : memref<1x8x512x32xf32, #tpu.memory_space<vmem>>, vector<1x1x512x32xf32>
    %swap3A_326 = vector.shape_cast %swap3A_325 : vector<1x1x512x32xf32> to vector<512x32xf32>
    %swap3A_327 = vector.shape_cast %add3A_320 : vector<512x32xf32> to vector<1x1x512x32xf32>
    tpu.vector_store %arg11[%swap3A_321, %swap3A_322, %swap3A_323, %swap3A_324], %swap3A_327 {strides = array<i32>} : memref<1x8x512x32xf32, #tpu.memory_space<vmem>>, vector<1x1x512x32xf32>,
    %reduce_sum3A_328 = arith.constant dense<0.000000e+00> : vector<32xf32>
    %reduce_sum3A_329 = vector.multi_reduction <add>, %add3A_320, %reduce_sum3A_328 [0] : vector<512x32xf32> to vector<32xf32>
    %broadcast_in_dim3A_330 = vector.shape_cast %reduce_sum3A_329 : vector<32xf32> to vector<1x32xf32>
    %add3A_331 = arith.addf %add3A_294, %broadcast_in_dim3A_330 : vector<1x32xf32>
    %mul3A_332 = arith.mulf %add3A_320, %add3A_320 : vector<512x32xf32>
    %reduce_sum3A_333 = arith.constant dense<0.000000e+00> : vector<32xf32>
    %reduce_sum3A_334 = vector.multi_reduction <add>, %mul3A_332, %reduce_sum3A_333 [0] : vector<512x32xf32> to vector<32xf32>
    %broadcast_in_dim3A_335 = vector.shape_cast %reduce_sum3A_334 : vector<32xf32> to vector<1x32xf32>
    %add3A_336 = arith.addf %add3A_299, %broadcast_in_dim3A_335 : vector<1x32xf32>
    %concatenate3A = tpu.concatenate %broadcast_in_dim3A_55, %broadcast_in_dim3A_91, %broadcast_in_dim3A_128, %broadcast_in_dim3A_165, %broadcast_in_dim3A_202, %broadcast_in_dim3A_239, %broadcast_in_dim3A_276, %broadcast_in_dim3A_313 in 1 : vector<512x1xf32>, vector<512x1xf32>, vector<512x1xf32>, vector<512x1xf32>, vector<512x1xf32>, vector<512x1xf32>, vector<512x1xf32>, vector<512x1xf32> -> vector<512x8xf32>
    %convert_element_type3A_337 = arith.fptosi %concatenate3A : vector<512x8xf32> to vector<512x8xi32>
    %swap3A_338 = arith.constant 0 : index
    %swap3A_339 = arith.constant 0 : index
    %swap3A_340 = arith.constant 0 : index
    %swap3A_341 = vector.load %arg9[%swap3A_338, %swap3A_339, %swap3A_340] : memref<1x512x8xi32, #tpu.memory_space<vmem>>, vector<1x512x8xi32>
    %swap3A_342 = vector.shape_cast %swap3A_341 : vector<1x512x8xi32> to vector<512x8xi32>
    %swap3A_343 = vector.shape_cast %convert_element_type3A_337 : vector<512x8xi32> to vector<1x512x8xi32>
    tpu.vector_store %arg9[%swap3A_338, %swap3A_339, %swap3A_340], %swap3A_343 {strides = array<i32>} : memref<1x512x8xi32, #tpu.memory_space<vmem>>, vector<1x512x8xi32>,
    %mul3A_344 = arith.constant 2048 : i32
    %mul3A_345 = arith.muli %arg0, %mul3A_344 : i32
    %add3A_346 = vector.broadcast %mul3A_345 : i32 to vector<512x8xi32>
    %add3A_347 = arith.addi %convert_element_type3A_337, %add3A_346 : vector<512x8xi32>
    %swap3A_348 = arith.constant 0 : index
    %swap3A_349 = arith.constant 0 : index
    %swap3A_350 = arith.constant 0 : index
    %swap3A_351 = vector.load %arg10[%swap3A_348, %swap3A_349, %swap3A_350] : memref<1x512x8xi32, #tpu.memory_space<vmem>>, vector<1x512x8xi32>
    %swap3A_352 = vector.shape_cast %swap3A_351 : vector<1x512x8xi32> to vector<512x8xi32>
    %swap3A_353 = vector.shape_cast %add3A_347 : vector<512x8xi32> to vector<1x512x8xi32>
    tpu.vector_store %arg10[%swap3A_348, %swap3A_349, %swap3A_350], %swap3A_353 {strides = array<i32>} : memref<1x512x8xi32, #tpu.memory_space<vmem>>, vector<1x512x8xi32>,
    %eq3A_354 = arith.constant 0 : i32
    %eq3A_355 = arith.cmpi eq, %arg0, %eq3A_354 : i32
    %eq3A_356 = arith.constant 0 : i32
    %eq3A_357 = arith.cmpi eq, %arg1, %eq3A_356 : i32
    %and3A = arith.andi %eq3A_355, %eq3A_357 : i1
    %convert_element_type3A_358 = arith.extui %and3A : i1 to i32
    %cond3A = arith.constant 0 : i32
    %cond3A_359 = arith.cmpi ne, %convert_element_type3A_358, %cond3A : i32
    scf.if %cond3A_359 {
      %broadcast_in_dim3A_374 = arith.constant 0.000000e+00 : f32
      %broadcast_in_dim3A_375 = vector.broadcast %broadcast_in_dim3A_374 : f32 to vector<1x32xf32>
      %swap3A_376 = arith.constant 0 : index
      %swap3A_377 = arith.constant 0 : index
      %swap3A_378 = vector.load %arg12[%swap3A_376, %swap3A_377] : memref<1x32xf32, #tpu.memory_space<vmem>>, vector<1x32xf32>
      tpu.vector_store %arg12[%swap3A_376, %swap3A_377], %broadcast_in_dim3A_375 {strides = array<i32>} : memref<1x32xf32, #tpu.memory_space<vmem>>, vector<1x32xf32>,
      %broadcast_in_dim3A_379 = arith.constant 0.000000e+00 : f32
      %broadcast_in_dim3A_380 = vector.broadcast %broadcast_in_dim3A_379 : f32 to vector<1x32xf32>
      %swap3A_381 = arith.constant 0 : index
      %swap3A_382 = arith.constant 0 : index
      %swap3A_383 = vector.load %arg13[%swap3A_381, %swap3A_382] : memref<1x32xf32, #tpu.memory_space<vmem>>, vector<1x32xf32>
      tpu.vector_store %arg13[%swap3A_381, %swap3A_382], %broadcast_in_dim3A_380 {strides = array<i32>} : memref<1x32xf32, #tpu.memory_space<vmem>>, vector<1x32xf32>,
    } else {
    }
    %get3A_360 = arith.constant 0 : index
    %get3A_361 = arith.constant 0 : index
    %get3A_362 = vector.load %arg12[%get3A_360, %get3A_361] : memref<1x32xf32, #tpu.memory_space<vmem>>, vector<1x32xf32>
    %add3A_363 = arith.addf %get3A_362, %add3A_331 : vector<1x32xf32>
    %swap3A_364 = arith.constant 0 : index
    %swap3A_365 = arith.constant 0 : index
    %swap3A_366 = vector.load %arg12[%swap3A_364, %swap3A_365] : memref<1x32xf32, #tpu.memory_space<vmem>>, vector<1x32xf32>
    tpu.vector_store %arg12[%swap3A_364, %swap3A_365], %add3A_363 {strides = array<i32>} : memref<1x32xf32, #tpu.memory_space<vmem>>, vector<1x32xf32>,
    %get3A_367 = arith.constant 0 : index
    %get3A_368 = arith.constant 0 : index
    %get3A_369 = vector.load %arg13[%get3A_367, %get3A_368] : memref<1x32xf32, #tpu.memory_space<vmem>>, vector<1x32xf32>
    %add3A_370 = arith.addf %get3A_369, %add3A_336 : vector<1x32xf32>
    %swap3A_371 = arith.constant 0 : index
    %swap3A_372 = arith.constant 0 : index
    %swap3A_373 = vector.load %arg13[%swap3A_371, %swap3A_372] : memref<1x32xf32, #tpu.memory_space<vmem>>, vector<1x32xf32>
    tpu.vector_store %arg13[%swap3A_371, %swap3A_372], %add3A_370 {strides = array<i32>} : memref<1x32xf32, #tpu.memory_space<vmem>>, vector<1x32xf32>,
    return
  }
  func.func @transform_0(%arg0: i32, %arg1: i32) -> (i32, i32, i32) {
    %c0_i32 = arith.constant 0 : i32
    %c0_i32_0 = arith.constant 0 : i32
    return %arg0, %arg1, %c0_i32 : i32, i32, i32
  }
  func.func @transform_1(%arg0: i32, %arg1: i32) -> (i32, i32, i32) {
    %c0_i32 = arith.constant 0 : i32
    %c0_i32_0 = arith.constant 0 : i32
    %c0_i32_1 = arith.constant 0 : i32
    return %arg0, %c0_i32, %c0_i32_0 : i32, i32, i32
  }
  func.func @transform_2(%arg0: i32, %arg1: i32) -> (i32, i32, i32) {
    %c0_i32 = arith.constant 0 : i32
    %c0_i32_0 = arith.constant 0 : i32
    return %arg0, %arg1, %c0_i32 : i32, i32, i32
  }
  func.func @transform_3(%arg0: i32, %arg1: i32) -> (i32, i32, i32) {
    %c0_i32 = arith.constant 0 : i32
    %c0_i32_0 = arith.constant 0 : i32
    %c0_i32_1 = arith.constant 0 : i32
    return %arg0, %c0_i32, %c0_i32_0 : i32, i32, i32
  }
  func.func @transform_4(%arg0: i32, %arg1: i32) -> (i32, i32) {
    %c0_i32 = arith.constant 0 : i32
    %c0_i32_0 = arith.constant 0 : i32
    %c0_i32_1 = arith.constant 0 : i32
    return %c0_i32, %c0_i32_0 : i32, i32
  }
  func.func @transform_5(%arg0: i32, %arg1: i32) -> (i32, i32) {
    %c0_i32 = arith.constant 0 : i32
    %c0_i32_0 = arith.constant 0 : i32
    %c0_i32_1 = arith.constant 0 : i32
    return %c0_i32, %c0_i32_0 : i32, i32
  }
  func.func @transform_6(%arg0: i32, %arg1: i32) -> (i32, i32) {
    %c0_i32 = arith.constant 0 : i32
    %c0_i32_0 = arith.constant 0 : i32
    %c0_i32_1 = arith.constant 0 : i32
    return %c0_i32, %c0_i32_0 : i32, i32
  }
  func.func @transform_7(%arg0: i32, %arg1: i32) -> (i32, i32, i32) {
    %c0_i32 = arith.constant 0 : i32
    %c0_i32_0 = arith.constant 0 : i32
    return %arg0, %arg1, %c0_i32 : i32, i32, i32
  }
  func.func @transform_8(%arg0: i32, %arg1: i32) -> (i32, i32, i32) {
    %c0_i32 = arith.constant 0 : i32
    %c0_i32_0 = arith.constant 0 : i32
    return %arg0, %arg1, %c0_i32 : i32, i32, i32
  }
  func.func @transform_9(%arg0: i32, %arg1: i32) -> (i32, i32, i32, i32) {
    %c0_i32 = arith.constant 0 : i32
    %c0_i32_0 = arith.constant 0 : i32
    %c0_i32_1 = arith.constant 0 : i32
    return %arg0, %c0_i32, %arg1, %c0_i32_0 : i32, i32, i32, i32
  }
  func.func @transform_10(%arg0: i32, %arg1: i32) -> (i32, i32) {
    %c0_i32 = arith.constant 0 : i32
    %c0_i32_0 = arith.constant 0 : i32
    %c0_i32_1 = arith.constant 0 : i32
    return %c0_i32, %c0_i32_0 : i32, i32
  }
  func.func @transform_11(%arg0: i32, %arg1: i32) -> (i32, i32) {
    %c0_i32 = arith.constant 0 : i32
    %c0_i32_0 = arith.constant 0 : i32
    %c0_i32_1 = arith.constant 0 : i32
    return %c0_i32, %c0_i32_0 : i32, i32
  }
}

module attributes {stable_mosaic.version = 14 : i64} {
  func.func @_weights_body(%arg0: i32, %arg1: i32, %arg2: memref<1x8x512x32xf32, #tpu.memory_space<vmem>>, %arg3: memref<1x32xf32, #tpu.memory_space<vmem>>, %arg4: memref<1x32xf32, #tpu.memory_space<vmem>>, %arg5: memref<32x1xf32, #tpu.memory_space<vmem>>, %arg6: memref<1x1xf32, #tpu.memory_space<vmem>>, %arg7: memref<1x512x8xf32, #tpu.memory_space<vmem>>, %arg8: memref<1x512x8xf32, #tpu.memory_space<vmem>>) attributes {dimension_semantics = [#tpu.dimension_semantics<arbitrary>, #tpu.dimension_semantics<arbitrary>], iteration_bounds = array<i64: 4, 16>, scalar_prefetch = 0 : i64, scratch_operands = 0 : i64, tpu.core_type = #tpu.core_type<tc>, window_params = [{transform_indices = @transform_0, window_bounds = array<i64: 1, 8, 512, 32>}, {pipeline_mode = #tpu.pipeline_mode<synchronous>, transform_indices = @transform_1, window_bounds = array<i64: 1, 32>}, {pipeline_mode = #tpu.pipeline_mode<synchronous>, transform_indices = @transform_2, window_bounds = array<i64: 1, 32>}, {pipeline_mode = #tpu.pipeline_mode<synchronous>, transform_indices = @transform_3, window_bounds = array<i64: 32, 1>}, {pipeline_mode = #tpu.pipeline_mode<synchronous>, transform_indices = @transform_4, window_bounds = array<i64: 1, 1>}, {transform_indices = @transform_5, window_bounds = array<i64: 1, 512, 8>}, {transform_indices = @transform_6, window_bounds = array<i64: 1, 512, 8>}]} {
    %get3A = arith.constant 0 : index
    %get3A_0 = arith.constant 0 : index
    %get3A_1 = arith.constant 0 : index
    %get3A_2 = arith.constant 0 : index
    %get3A_3 = vector.load %arg2[%get3A, %get3A_0, %get3A_1, %get3A_2] : memref<1x8x512x32xf32, #tpu.memory_space<vmem>>, vector<1x1x512x32xf32>
    %get3A_4 = vector.shape_cast %get3A_3 : vector<1x1x512x32xf32> to vector<512x32xf32>
    %get3A_5 = arith.constant 0 : index
    %get3A_6 = arith.constant 0 : index
    %get3A_7 = vector.load %arg3[%get3A_5, %get3A_6] : memref<1x32xf32, #tpu.memory_space<vmem>>, vector<1x32xf32>
    %mul3A = vector.broadcast %get3A_7 : vector<1x32xf32> to vector<512x32xf32>
    %mul3A_8 = arith.mulf %get3A_4, %mul3A : vector<512x32xf32>
    %get3A_9 = arith.constant 0 : index
    %get3A_10 = arith.constant 0 : index
    %get3A_11 = vector.load %arg4[%get3A_9, %get3A_10] : memref<1x32xf32, #tpu.memory_space<vmem>>, vector<1x32xf32>
    %add3A = vector.broadcast %get3A_11 : vector<1x32xf32> to vector<512x32xf32>
    %add3A_12 = arith.addf %mul3A_8, %add3A : vector<512x32xf32>
    %max3A = arith.constant 0.000000e+00 : f32
    %max3A_13 = vector.broadcast %max3A : f32 to vector<512x32xf32>
    %max3A_14 = arith.maximumf %add3A_12, %max3A_13 : vector<512x32xf32>
    %get3A_15 = arith.constant 0 : index
    %get3A_16 = arith.constant 0 : index
    %get3A_17 = vector.load %arg5[%get3A_15, %get3A_16] : memref<32x1xf32, #tpu.memory_space<vmem>>, vector<32x1xf32>
    %dot_general3A = arith.constant dense<0.000000e+00> : vector<512x1xf32>
    %dot_general3A_18 = tpu.matmul %max3A_14, %get3A_17, %dot_general3A {dimension_numbers = #tpu.dot_dimension_numbers<[1], [0], [0], [1], [0, 0, 1, 1], [], []>, transpose_lhs_hint = false} : vector<512x32xf32>, vector<32x1xf32>, vector<512x1xf32> -> vector<512x1xf32>
    %get3A_19 = arith.constant 0 : index
    %get3A_20 = arith.constant 0 : index
    %get3A_21 = vector.load %arg6[%get3A_19, %get3A_20] : memref<1x1xf32, #tpu.memory_space<vmem>>, vector<1x1xf32>
    %add3A_22 = vector.broadcast %get3A_21 : vector<1x1xf32> to vector<512x1xf32>
    %add3A_23 = arith.addf %dot_general3A_18, %add3A_22 : vector<512x1xf32>
    %neg3A = arith.constant 0.000000e+00 : f32
    %neg3A_24 = vector.broadcast %neg3A : f32 to vector<512x1xf32>
    %neg3A_25 = arith.subf %neg3A_24, %add3A_23 : vector<512x1xf32>
    %exp3A = math.exp %neg3A_25 : vector<512x1xf32>
    %add3A_26 = arith.constant 1.000000e+00 : f32
    %add3A_27 = vector.broadcast %add3A_26 : f32 to vector<512x1xf32>
    %add3A_28 = arith.addf %add3A_27, %exp3A : vector<512x1xf32>
    %div3A = arith.constant 1.000000e+00 : f32
    %div3A_29 = vector.broadcast %div3A : f32 to vector<512x1xf32>
    %div3A_30 = arith.divf %div3A_29, %add3A_28 : vector<512x1xf32>
    %get3A_31 = arith.constant 0 : index
    %get3A_32 = arith.constant 1 : index
    %get3A_33 = arith.constant 0 : index
    %get3A_34 = arith.constant 0 : index
    %get3A_35 = vector.load %arg2[%get3A_31, %get3A_32, %get3A_33, %get3A_34] : memref<1x8x512x32xf32, #tpu.memory_space<vmem>>, vector<1x1x512x32xf32>
    %get3A_36 = vector.shape_cast %get3A_35 : vector<1x1x512x32xf32> to vector<512x32xf32>
    %get3A_37 = arith.constant 0 : index
    %get3A_38 = arith.constant 0 : index
    %get3A_39 = vector.load %arg3[%get3A_37, %get3A_38] : memref<1x32xf32, #tpu.memory_space<vmem>>, vector<1x32xf32>
    %mul3A_40 = vector.broadcast %get3A_39 : vector<1x32xf32> to vector<512x32xf32>
    %mul3A_41 = arith.mulf %get3A_36, %mul3A_40 : vector<512x32xf32>
    %get3A_42 = arith.constant 0 : index
    %get3A_43 = arith.constant 0 : index
    %get3A_44 = vector.load %arg4[%get3A_42, %get3A_43] : memref<1x32xf32, #tpu.memory_space<vmem>>, vector<1x32xf32>
    %add3A_45 = vector.broadcast %get3A_44 : vector<1x32xf32> to vector<512x32xf32>
    %add3A_46 = arith.addf %mul3A_41, %add3A_45 : vector<512x32xf32>
    %max3A_47 = arith.constant 0.000000e+00 : f32
    %max3A_48 = vector.broadcast %max3A_47 : f32 to vector<512x32xf32>
    %max3A_49 = arith.maximumf %add3A_46, %max3A_48 : vector<512x32xf32>
    %get3A_50 = arith.constant 0 : index
    %get3A_51 = arith.constant 0 : index
    %get3A_52 = vector.load %arg5[%get3A_50, %get3A_51] : memref<32x1xf32, #tpu.memory_space<vmem>>, vector<32x1xf32>
    %dot_general3A_53 = arith.constant dense<0.000000e+00> : vector<512x1xf32>
    %dot_general3A_54 = tpu.matmul %max3A_49, %get3A_52, %dot_general3A_53 {dimension_numbers = #tpu.dot_dimension_numbers<[1], [0], [0], [1], [0, 0, 1, 1], [], []>, transpose_lhs_hint = false} : vector<512x32xf32>, vector<32x1xf32>, vector<512x1xf32> -> vector<512x1xf32>
    %get3A_55 = arith.constant 0 : index
    %get3A_56 = arith.constant 0 : index
    %get3A_57 = vector.load %arg6[%get3A_55, %get3A_56] : memref<1x1xf32, #tpu.memory_space<vmem>>, vector<1x1xf32>
    %add3A_58 = vector.broadcast %get3A_57 : vector<1x1xf32> to vector<512x1xf32>
    %add3A_59 = arith.addf %dot_general3A_54, %add3A_58 : vector<512x1xf32>
    %neg3A_60 = arith.constant 0.000000e+00 : f32
    %neg3A_61 = vector.broadcast %neg3A_60 : f32 to vector<512x1xf32>
    %neg3A_62 = arith.subf %neg3A_61, %add3A_59 : vector<512x1xf32>
    %exp3A_63 = math.exp %neg3A_62 : vector<512x1xf32>
    %add3A_64 = arith.constant 1.000000e+00 : f32
    %add3A_65 = vector.broadcast %add3A_64 : f32 to vector<512x1xf32>
    %add3A_66 = arith.addf %add3A_65, %exp3A_63 : vector<512x1xf32>
    %div3A_67 = arith.constant 1.000000e+00 : f32
    %div3A_68 = vector.broadcast %div3A_67 : f32 to vector<512x1xf32>
    %div3A_69 = arith.divf %div3A_68, %add3A_66 : vector<512x1xf32>
    %get3A_70 = arith.constant 0 : index
    %get3A_71 = arith.constant 2 : index
    %get3A_72 = arith.constant 0 : index
    %get3A_73 = arith.constant 0 : index
    %get3A_74 = vector.load %arg2[%get3A_70, %get3A_71, %get3A_72, %get3A_73] : memref<1x8x512x32xf32, #tpu.memory_space<vmem>>, vector<1x1x512x32xf32>
    %get3A_75 = vector.shape_cast %get3A_74 : vector<1x1x512x32xf32> to vector<512x32xf32>
    %get3A_76 = arith.constant 0 : index
    %get3A_77 = arith.constant 0 : index
    %get3A_78 = vector.load %arg3[%get3A_76, %get3A_77] : memref<1x32xf32, #tpu.memory_space<vmem>>, vector<1x32xf32>
    %mul3A_79 = vector.broadcast %get3A_78 : vector<1x32xf32> to vector<512x32xf32>
    %mul3A_80 = arith.mulf %get3A_75, %mul3A_79 : vector<512x32xf32>
    %get3A_81 = arith.constant 0 : index
    %get3A_82 = arith.constant 0 : index
    %get3A_83 = vector.load %arg4[%get3A_81, %get3A_82] : memref<1x32xf32, #tpu.memory_space<vmem>>, vector<1x32xf32>
    %add3A_84 = vector.broadcast %get3A_83 : vector<1x32xf32> to vector<512x32xf32>
    %add3A_85 = arith.addf %mul3A_80, %add3A_84 : vector<512x32xf32>
    %max3A_86 = arith.constant 0.000000e+00 : f32
    %max3A_87 = vector.broadcast %max3A_86 : f32 to vector<512x32xf32>
    %max3A_88 = arith.maximumf %add3A_85, %max3A_87 : vector<512x32xf32>
    %get3A_89 = arith.constant 0 : index
    %get3A_90 = arith.constant 0 : index
    %get3A_91 = vector.load %arg5[%get3A_89, %get3A_90] : memref<32x1xf32, #tpu.memory_space<vmem>>, vector<32x1xf32>
    %dot_general3A_92 = arith.constant dense<0.000000e+00> : vector<512x1xf32>
    %dot_general3A_93 = tpu.matmul %max3A_88, %get3A_91, %dot_general3A_92 {dimension_numbers = #tpu.dot_dimension_numbers<[1], [0], [0], [1], [0, 0, 1, 1], [], []>, transpose_lhs_hint = false} : vector<512x32xf32>, vector<32x1xf32>, vector<512x1xf32> -> vector<512x1xf32>
    %get3A_94 = arith.constant 0 : index
    %get3A_95 = arith.constant 0 : index
    %get3A_96 = vector.load %arg6[%get3A_94, %get3A_95] : memref<1x1xf32, #tpu.memory_space<vmem>>, vector<1x1xf32>
    %add3A_97 = vector.broadcast %get3A_96 : vector<1x1xf32> to vector<512x1xf32>
    %add3A_98 = arith.addf %dot_general3A_93, %add3A_97 : vector<512x1xf32>
    %neg3A_99 = arith.constant 0.000000e+00 : f32
    %neg3A_100 = vector.broadcast %neg3A_99 : f32 to vector<512x1xf32>
    %neg3A_101 = arith.subf %neg3A_100, %add3A_98 : vector<512x1xf32>
    %exp3A_102 = math.exp %neg3A_101 : vector<512x1xf32>
    %add3A_103 = arith.constant 1.000000e+00 : f32
    %add3A_104 = vector.broadcast %add3A_103 : f32 to vector<512x1xf32>
    %add3A_105 = arith.addf %add3A_104, %exp3A_102 : vector<512x1xf32>
    %div3A_106 = arith.constant 1.000000e+00 : f32
    %div3A_107 = vector.broadcast %div3A_106 : f32 to vector<512x1xf32>
    %div3A_108 = arith.divf %div3A_107, %add3A_105 : vector<512x1xf32>
    %get3A_109 = arith.constant 0 : index
    %get3A_110 = arith.constant 3 : index
    %get3A_111 = arith.constant 0 : index
    %get3A_112 = arith.constant 0 : index
    %get3A_113 = vector.load %arg2[%get3A_109, %get3A_110, %get3A_111, %get3A_112] : memref<1x8x512x32xf32, #tpu.memory_space<vmem>>, vector<1x1x512x32xf32>
    %get3A_114 = vector.shape_cast %get3A_113 : vector<1x1x512x32xf32> to vector<512x32xf32>
    %get3A_115 = arith.constant 0 : index
    %get3A_116 = arith.constant 0 : index
    %get3A_117 = vector.load %arg3[%get3A_115, %get3A_116] : memref<1x32xf32, #tpu.memory_space<vmem>>, vector<1x32xf32>
    %mul3A_118 = vector.broadcast %get3A_117 : vector<1x32xf32> to vector<512x32xf32>
    %mul3A_119 = arith.mulf %get3A_114, %mul3A_118 : vector<512x32xf32>
    %get3A_120 = arith.constant 0 : index
    %get3A_121 = arith.constant 0 : index
    %get3A_122 = vector.load %arg4[%get3A_120, %get3A_121] : memref<1x32xf32, #tpu.memory_space<vmem>>, vector<1x32xf32>
    %add3A_123 = vector.broadcast %get3A_122 : vector<1x32xf32> to vector<512x32xf32>
    %add3A_124 = arith.addf %mul3A_119, %add3A_123 : vector<512x32xf32>
    %max3A_125 = arith.constant 0.000000e+00 : f32
    %max3A_126 = vector.broadcast %max3A_125 : f32 to vector<512x32xf32>
    %max3A_127 = arith.maximumf %add3A_124, %max3A_126 : vector<512x32xf32>
    %get3A_128 = arith.constant 0 : index
    %get3A_129 = arith.constant 0 : index
    %get3A_130 = vector.load %arg5[%get3A_128, %get3A_129] : memref<32x1xf32, #tpu.memory_space<vmem>>, vector<32x1xf32>
    %dot_general3A_131 = arith.constant dense<0.000000e+00> : vector<512x1xf32>
    %dot_general3A_132 = tpu.matmul %max3A_127, %get3A_130, %dot_general3A_131 {dimension_numbers = #tpu.dot_dimension_numbers<[1], [0], [0], [1], [0, 0, 1, 1], [], []>, transpose_lhs_hint = false} : vector<512x32xf32>, vector<32x1xf32>, vector<512x1xf32> -> vector<512x1xf32>
    %get3A_133 = arith.constant 0 : index
    %get3A_134 = arith.constant 0 : index
    %get3A_135 = vector.load %arg6[%get3A_133, %get3A_134] : memref<1x1xf32, #tpu.memory_space<vmem>>, vector<1x1xf32>
    %add3A_136 = vector.broadcast %get3A_135 : vector<1x1xf32> to vector<512x1xf32>
    %add3A_137 = arith.addf %dot_general3A_132, %add3A_136 : vector<512x1xf32>
    %neg3A_138 = arith.constant 0.000000e+00 : f32
    %neg3A_139 = vector.broadcast %neg3A_138 : f32 to vector<512x1xf32>
    %neg3A_140 = arith.subf %neg3A_139, %add3A_137 : vector<512x1xf32>
    %exp3A_141 = math.exp %neg3A_140 : vector<512x1xf32>
    %add3A_142 = arith.constant 1.000000e+00 : f32
    %add3A_143 = vector.broadcast %add3A_142 : f32 to vector<512x1xf32>
    %add3A_144 = arith.addf %add3A_143, %exp3A_141 : vector<512x1xf32>
    %div3A_145 = arith.constant 1.000000e+00 : f32
    %div3A_146 = vector.broadcast %div3A_145 : f32 to vector<512x1xf32>
    %div3A_147 = arith.divf %div3A_146, %add3A_144 : vector<512x1xf32>
    %get3A_148 = arith.constant 0 : index
    %get3A_149 = arith.constant 4 : index
    %get3A_150 = arith.constant 0 : index
    %get3A_151 = arith.constant 0 : index
    %get3A_152 = vector.load %arg2[%get3A_148, %get3A_149, %get3A_150, %get3A_151] : memref<1x8x512x32xf32, #tpu.memory_space<vmem>>, vector<1x1x512x32xf32>
    %get3A_153 = vector.shape_cast %get3A_152 : vector<1x1x512x32xf32> to vector<512x32xf32>
    %get3A_154 = arith.constant 0 : index
    %get3A_155 = arith.constant 0 : index
    %get3A_156 = vector.load %arg3[%get3A_154, %get3A_155] : memref<1x32xf32, #tpu.memory_space<vmem>>, vector<1x32xf32>
    %mul3A_157 = vector.broadcast %get3A_156 : vector<1x32xf32> to vector<512x32xf32>
    %mul3A_158 = arith.mulf %get3A_153, %mul3A_157 : vector<512x32xf32>
    %get3A_159 = arith.constant 0 : index
    %get3A_160 = arith.constant 0 : index
    %get3A_161 = vector.load %arg4[%get3A_159, %get3A_160] : memref<1x32xf32, #tpu.memory_space<vmem>>, vector<1x32xf32>
    %add3A_162 = vector.broadcast %get3A_161 : vector<1x32xf32> to vector<512x32xf32>
    %add3A_163 = arith.addf %mul3A_158, %add3A_162 : vector<512x32xf32>
    %max3A_164 = arith.constant 0.000000e+00 : f32
    %max3A_165 = vector.broadcast %max3A_164 : f32 to vector<512x32xf32>
    %max3A_166 = arith.maximumf %add3A_163, %max3A_165 : vector<512x32xf32>
    %get3A_167 = arith.constant 0 : index
    %get3A_168 = arith.constant 0 : index
    %get3A_169 = vector.load %arg5[%get3A_167, %get3A_168] : memref<32x1xf32, #tpu.memory_space<vmem>>, vector<32x1xf32>
    %dot_general3A_170 = arith.constant dense<0.000000e+00> : vector<512x1xf32>
    %dot_general3A_171 = tpu.matmul %max3A_166, %get3A_169, %dot_general3A_170 {dimension_numbers = #tpu.dot_dimension_numbers<[1], [0], [0], [1], [0, 0, 1, 1], [], []>, transpose_lhs_hint = false} : vector<512x32xf32>, vector<32x1xf32>, vector<512x1xf32> -> vector<512x1xf32>
    %get3A_172 = arith.constant 0 : index
    %get3A_173 = arith.constant 0 : index
    %get3A_174 = vector.load %arg6[%get3A_172, %get3A_173] : memref<1x1xf32, #tpu.memory_space<vmem>>, vector<1x1xf32>
    %add3A_175 = vector.broadcast %get3A_174 : vector<1x1xf32> to vector<512x1xf32>
    %add3A_176 = arith.addf %dot_general3A_171, %add3A_175 : vector<512x1xf32>
    %neg3A_177 = arith.constant 0.000000e+00 : f32
    %neg3A_178 = vector.broadcast %neg3A_177 : f32 to vector<512x1xf32>
    %neg3A_179 = arith.subf %neg3A_178, %add3A_176 : vector<512x1xf32>
    %exp3A_180 = math.exp %neg3A_179 : vector<512x1xf32>
    %add3A_181 = arith.constant 1.000000e+00 : f32
    %add3A_182 = vector.broadcast %add3A_181 : f32 to vector<512x1xf32>
    %add3A_183 = arith.addf %add3A_182, %exp3A_180 : vector<512x1xf32>
    %div3A_184 = arith.constant 1.000000e+00 : f32
    %div3A_185 = vector.broadcast %div3A_184 : f32 to vector<512x1xf32>
    %div3A_186 = arith.divf %div3A_185, %add3A_183 : vector<512x1xf32>
    %get3A_187 = arith.constant 0 : index
    %get3A_188 = arith.constant 5 : index
    %get3A_189 = arith.constant 0 : index
    %get3A_190 = arith.constant 0 : index
    %get3A_191 = vector.load %arg2[%get3A_187, %get3A_188, %get3A_189, %get3A_190] : memref<1x8x512x32xf32, #tpu.memory_space<vmem>>, vector<1x1x512x32xf32>
    %get3A_192 = vector.shape_cast %get3A_191 : vector<1x1x512x32xf32> to vector<512x32xf32>
    %get3A_193 = arith.constant 0 : index
    %get3A_194 = arith.constant 0 : index
    %get3A_195 = vector.load %arg3[%get3A_193, %get3A_194] : memref<1x32xf32, #tpu.memory_space<vmem>>, vector<1x32xf32>
    %mul3A_196 = vector.broadcast %get3A_195 : vector<1x32xf32> to vector<512x32xf32>
    %mul3A_197 = arith.mulf %get3A_192, %mul3A_196 : vector<512x32xf32>
    %get3A_198 = arith.constant 0 : index
    %get3A_199 = arith.constant 0 : index
    %get3A_200 = vector.load %arg4[%get3A_198, %get3A_199] : memref<1x32xf32, #tpu.memory_space<vmem>>, vector<1x32xf32>
    %add3A_201 = vector.broadcast %get3A_200 : vector<1x32xf32> to vector<512x32xf32>
    %add3A_202 = arith.addf %mul3A_197, %add3A_201 : vector<512x32xf32>
    %max3A_203 = arith.constant 0.000000e+00 : f32
    %max3A_204 = vector.broadcast %max3A_203 : f32 to vector<512x32xf32>
    %max3A_205 = arith.maximumf %add3A_202, %max3A_204 : vector<512x32xf32>
    %get3A_206 = arith.constant 0 : index
    %get3A_207 = arith.constant 0 : index
    %get3A_208 = vector.load %arg5[%get3A_206, %get3A_207] : memref<32x1xf32, #tpu.memory_space<vmem>>, vector<32x1xf32>
    %dot_general3A_209 = arith.constant dense<0.000000e+00> : vector<512x1xf32>
    %dot_general3A_210 = tpu.matmul %max3A_205, %get3A_208, %dot_general3A_209 {dimension_numbers = #tpu.dot_dimension_numbers<[1], [0], [0], [1], [0, 0, 1, 1], [], []>, transpose_lhs_hint = false} : vector<512x32xf32>, vector<32x1xf32>, vector<512x1xf32> -> vector<512x1xf32>
    %get3A_211 = arith.constant 0 : index
    %get3A_212 = arith.constant 0 : index
    %get3A_213 = vector.load %arg6[%get3A_211, %get3A_212] : memref<1x1xf32, #tpu.memory_space<vmem>>, vector<1x1xf32>
    %add3A_214 = vector.broadcast %get3A_213 : vector<1x1xf32> to vector<512x1xf32>
    %add3A_215 = arith.addf %dot_general3A_210, %add3A_214 : vector<512x1xf32>
    %neg3A_216 = arith.constant 0.000000e+00 : f32
    %neg3A_217 = vector.broadcast %neg3A_216 : f32 to vector<512x1xf32>
    %neg3A_218 = arith.subf %neg3A_217, %add3A_215 : vector<512x1xf32>
    %exp3A_219 = math.exp %neg3A_218 : vector<512x1xf32>
    %add3A_220 = arith.constant 1.000000e+00 : f32
    %add3A_221 = vector.broadcast %add3A_220 : f32 to vector<512x1xf32>
    %add3A_222 = arith.addf %add3A_221, %exp3A_219 : vector<512x1xf32>
    %div3A_223 = arith.constant 1.000000e+00 : f32
    %div3A_224 = vector.broadcast %div3A_223 : f32 to vector<512x1xf32>
    %div3A_225 = arith.divf %div3A_224, %add3A_222 : vector<512x1xf32>
    %get3A_226 = arith.constant 0 : index
    %get3A_227 = arith.constant 6 : index
    %get3A_228 = arith.constant 0 : index
    %get3A_229 = arith.constant 0 : index
    %get3A_230 = vector.load %arg2[%get3A_226, %get3A_227, %get3A_228, %get3A_229] : memref<1x8x512x32xf32, #tpu.memory_space<vmem>>, vector<1x1x512x32xf32>
    %get3A_231 = vector.shape_cast %get3A_230 : vector<1x1x512x32xf32> to vector<512x32xf32>
    %get3A_232 = arith.constant 0 : index
    %get3A_233 = arith.constant 0 : index
    %get3A_234 = vector.load %arg3[%get3A_232, %get3A_233] : memref<1x32xf32, #tpu.memory_space<vmem>>, vector<1x32xf32>
    %mul3A_235 = vector.broadcast %get3A_234 : vector<1x32xf32> to vector<512x32xf32>
    %mul3A_236 = arith.mulf %get3A_231, %mul3A_235 : vector<512x32xf32>
    %get3A_237 = arith.constant 0 : index
    %get3A_238 = arith.constant 0 : index
    %get3A_239 = vector.load %arg4[%get3A_237, %get3A_238] : memref<1x32xf32, #tpu.memory_space<vmem>>, vector<1x32xf32>
    %add3A_240 = vector.broadcast %get3A_239 : vector<1x32xf32> to vector<512x32xf32>
    %add3A_241 = arith.addf %mul3A_236, %add3A_240 : vector<512x32xf32>
    %max3A_242 = arith.constant 0.000000e+00 : f32
    %max3A_243 = vector.broadcast %max3A_242 : f32 to vector<512x32xf32>
    %max3A_244 = arith.maximumf %add3A_241, %max3A_243 : vector<512x32xf32>
    %get3A_245 = arith.constant 0 : index
    %get3A_246 = arith.constant 0 : index
    %get3A_247 = vector.load %arg5[%get3A_245, %get3A_246] : memref<32x1xf32, #tpu.memory_space<vmem>>, vector<32x1xf32>
    %dot_general3A_248 = arith.constant dense<0.000000e+00> : vector<512x1xf32>
    %dot_general3A_249 = tpu.matmul %max3A_244, %get3A_247, %dot_general3A_248 {dimension_numbers = #tpu.dot_dimension_numbers<[1], [0], [0], [1], [0, 0, 1, 1], [], []>, transpose_lhs_hint = false} : vector<512x32xf32>, vector<32x1xf32>, vector<512x1xf32> -> vector<512x1xf32>
    %get3A_250 = arith.constant 0 : index
    %get3A_251 = arith.constant 0 : index
    %get3A_252 = vector.load %arg6[%get3A_250, %get3A_251] : memref<1x1xf32, #tpu.memory_space<vmem>>, vector<1x1xf32>
    %add3A_253 = vector.broadcast %get3A_252 : vector<1x1xf32> to vector<512x1xf32>
    %add3A_254 = arith.addf %dot_general3A_249, %add3A_253 : vector<512x1xf32>
    %neg3A_255 = arith.constant 0.000000e+00 : f32
    %neg3A_256 = vector.broadcast %neg3A_255 : f32 to vector<512x1xf32>
    %neg3A_257 = arith.subf %neg3A_256, %add3A_254 : vector<512x1xf32>
    %exp3A_258 = math.exp %neg3A_257 : vector<512x1xf32>
    %add3A_259 = arith.constant 1.000000e+00 : f32
    %add3A_260 = vector.broadcast %add3A_259 : f32 to vector<512x1xf32>
    %add3A_261 = arith.addf %add3A_260, %exp3A_258 : vector<512x1xf32>
    %div3A_262 = arith.constant 1.000000e+00 : f32
    %div3A_263 = vector.broadcast %div3A_262 : f32 to vector<512x1xf32>
    %div3A_264 = arith.divf %div3A_263, %add3A_261 : vector<512x1xf32>
    %get3A_265 = arith.constant 0 : index
    %get3A_266 = arith.constant 7 : index
    %get3A_267 = arith.constant 0 : index
    %get3A_268 = arith.constant 0 : index
    %get3A_269 = vector.load %arg2[%get3A_265, %get3A_266, %get3A_267, %get3A_268] : memref<1x8x512x32xf32, #tpu.memory_space<vmem>>, vector<1x1x512x32xf32>
    %get3A_270 = vector.shape_cast %get3A_269 : vector<1x1x512x32xf32> to vector<512x32xf32>
    %get3A_271 = arith.constant 0 : index
    %get3A_272 = arith.constant 0 : index
    %get3A_273 = vector.load %arg3[%get3A_271, %get3A_272] : memref<1x32xf32, #tpu.memory_space<vmem>>, vector<1x32xf32>
    %mul3A_274 = vector.broadcast %get3A_273 : vector<1x32xf32> to vector<512x32xf32>
    %mul3A_275 = arith.mulf %get3A_270, %mul3A_274 : vector<512x32xf32>
    %get3A_276 = arith.constant 0 : index
    %get3A_277 = arith.constant 0 : index
    %get3A_278 = vector.load %arg4[%get3A_276, %get3A_277] : memref<1x32xf32, #tpu.memory_space<vmem>>, vector<1x32xf32>
    %add3A_279 = vector.broadcast %get3A_278 : vector<1x32xf32> to vector<512x32xf32>
    %add3A_280 = arith.addf %mul3A_275, %add3A_279 : vector<512x32xf32>
    %max3A_281 = arith.constant 0.000000e+00 : f32
    %max3A_282 = vector.broadcast %max3A_281 : f32 to vector<512x32xf32>
    %max3A_283 = arith.maximumf %add3A_280, %max3A_282 : vector<512x32xf32>
    %get3A_284 = arith.constant 0 : index
    %get3A_285 = arith.constant 0 : index
    %get3A_286 = vector.load %arg5[%get3A_284, %get3A_285] : memref<32x1xf32, #tpu.memory_space<vmem>>, vector<32x1xf32>
    %dot_general3A_287 = arith.constant dense<0.000000e+00> : vector<512x1xf32>
    %dot_general3A_288 = tpu.matmul %max3A_283, %get3A_286, %dot_general3A_287 {dimension_numbers = #tpu.dot_dimension_numbers<[1], [0], [0], [1], [0, 0, 1, 1], [], []>, transpose_lhs_hint = false} : vector<512x32xf32>, vector<32x1xf32>, vector<512x1xf32> -> vector<512x1xf32>
    %get3A_289 = arith.constant 0 : index
    %get3A_290 = arith.constant 0 : index
    %get3A_291 = vector.load %arg6[%get3A_289, %get3A_290] : memref<1x1xf32, #tpu.memory_space<vmem>>, vector<1x1xf32>
    %add3A_292 = vector.broadcast %get3A_291 : vector<1x1xf32> to vector<512x1xf32>
    %add3A_293 = arith.addf %dot_general3A_288, %add3A_292 : vector<512x1xf32>
    %neg3A_294 = arith.constant 0.000000e+00 : f32
    %neg3A_295 = vector.broadcast %neg3A_294 : f32 to vector<512x1xf32>
    %neg3A_296 = arith.subf %neg3A_295, %add3A_293 : vector<512x1xf32>
    %exp3A_297 = math.exp %neg3A_296 : vector<512x1xf32>
    %add3A_298 = arith.constant 1.000000e+00 : f32
    %add3A_299 = vector.broadcast %add3A_298 : f32 to vector<512x1xf32>
    %add3A_300 = arith.addf %add3A_299, %exp3A_297 : vector<512x1xf32>
    %div3A_301 = arith.constant 1.000000e+00 : f32
    %div3A_302 = vector.broadcast %div3A_301 : f32 to vector<512x1xf32>
    %div3A_303 = arith.divf %div3A_302, %add3A_300 : vector<512x1xf32>
    %concatenate3A = tpu.concatenate %div3A_30, %div3A_69, %div3A_108, %div3A_147, %div3A_186, %div3A_225, %div3A_264, %div3A_303 in 1 : vector<512x1xf32>, vector<512x1xf32>, vector<512x1xf32>, vector<512x1xf32>, vector<512x1xf32>, vector<512x1xf32>, vector<512x1xf32>, vector<512x1xf32> -> vector<512x8xf32>
    %reduce_sum3A = arith.constant dense<0.000000e+00> : vector<512xf32>
    %reduce_sum3A_304 = vector.multi_reduction <add>, %concatenate3A, %reduce_sum3A [1] : vector<512x8xf32> to vector<512xf32>
    %broadcast_in_dim3A = vector.shape_cast %reduce_sum3A_304 : vector<512xf32> to vector<512x1xf32>
    %swap3A = arith.constant 0 : index
    %swap3A_305 = arith.constant 0 : index
    %swap3A_306 = arith.constant 0 : index
    %swap3A_307 = vector.load %arg7[%swap3A, %swap3A_305, %swap3A_306] : memref<1x512x8xf32, #tpu.memory_space<vmem>>, vector<1x512x8xf32>
    %swap3A_308 = vector.shape_cast %swap3A_307 : vector<1x512x8xf32> to vector<512x8xf32>
    %swap3A_309 = vector.shape_cast %concatenate3A : vector<512x8xf32> to vector<1x512x8xf32>
    tpu.vector_store %arg7[%swap3A, %swap3A_305, %swap3A_306], %swap3A_309 {strides = array<i32>} : memref<1x512x8xf32, #tpu.memory_space<vmem>>, vector<1x512x8xf32>,
    %add3A_310 = arith.constant 9.99999993E-9 : f32
    %add3A_311 = vector.broadcast %add3A_310 : f32 to vector<512x1xf32>
    %add3A_312 = arith.addf %broadcast_in_dim3A, %add3A_311 : vector<512x1xf32>
    %div3A_313 = arith.constant 1.000000e+00 : f32
    %div3A_314 = vector.broadcast %div3A_313 : f32 to vector<512x1xf32>
    %div3A_315 = arith.divf %div3A_314, %add3A_312 : vector<512x1xf32>
    %mul3A_316 = vector.broadcast %div3A_315 : vector<512x1xf32> to vector<512x8xf32>
    %mul3A_317 = arith.mulf %concatenate3A, %mul3A_316 : vector<512x8xf32>
    %swap3A_318 = arith.constant 0 : index
    %swap3A_319 = arith.constant 0 : index
    %swap3A_320 = arith.constant 0 : index
    %swap3A_321 = vector.load %arg8[%swap3A_318, %swap3A_319, %swap3A_320] : memref<1x512x8xf32, #tpu.memory_space<vmem>>, vector<1x512x8xf32>
    %swap3A_322 = vector.shape_cast %swap3A_321 : vector<1x512x8xf32> to vector<512x8xf32>
    %swap3A_323 = vector.shape_cast %mul3A_317 : vector<512x8xf32> to vector<1x512x8xf32>
    tpu.vector_store %arg8[%swap3A_318, %swap3A_319, %swap3A_320], %swap3A_323 {strides = array<i32>} : memref<1x512x8xf32, #tpu.memory_space<vmem>>, vector<1x512x8xf32>,
    return
  }
  func.func @transform_0(%arg0: i32, %arg1: i32) -> (i32, i32, i32, i32) {
    %c0_i32 = arith.constant 0 : i32
    %c0_i32_0 = arith.constant 0 : i32
    %c0_i32_1 = arith.constant 0 : i32
    return %arg0, %c0_i32, %arg1, %c0_i32_0 : i32, i32, i32, i32
  }
  func.func @transform_1(%arg0: i32, %arg1: i32) -> (i32, i32) {
    %c0_i32 = arith.constant 0 : i32
    %c0_i32_0 = arith.constant 0 : i32
    %c0_i32_1 = arith.constant 0 : i32
    return %c0_i32, %c0_i32_0 : i32, i32
  }
  func.func @transform_2(%arg0: i32, %arg1: i32) -> (i32, i32) {
    %c0_i32 = arith.constant 0 : i32
    %c0_i32_0 = arith.constant 0 : i32
    %c0_i32_1 = arith.constant 0 : i32
    return %c0_i32, %c0_i32_0 : i32, i32
  }
  func.func @transform_3(%arg0: i32, %arg1: i32) -> (i32, i32) {
    %c0_i32 = arith.constant 0 : i32
    %c0_i32_0 = arith.constant 0 : i32
    %c0_i32_1 = arith.constant 0 : i32
    return %c0_i32, %c0_i32_0 : i32, i32
  }
  func.func @transform_4(%arg0: i32, %arg1: i32) -> (i32, i32) {
    %c0_i32 = arith.constant 0 : i32
    %c0_i32_0 = arith.constant 0 : i32
    %c0_i32_1 = arith.constant 0 : i32
    return %c0_i32, %c0_i32_0 : i32, i32
  }
  func.func @transform_5(%arg0: i32, %arg1: i32) -> (i32, i32, i32) {
    %c0_i32 = arith.constant 0 : i32
    %c0_i32_0 = arith.constant 0 : i32
    return %arg0, %arg1, %c0_i32 : i32, i32, i32
  }
  func.func @transform_6(%arg0: i32, %arg1: i32) -> (i32, i32, i32) {
    %c0_i32 = arith.constant 0 : i32
    %c0_i32_0 = arith.constant 0 : i32
    return %arg0, %arg1, %c0_i32 : i32, i32, i32
  }
}

module attributes {stable_mosaic.version = 14 : i64} {
  func.func @_mlp_body(%arg0: i32, %arg1: i32, %arg2: memref<1x512x8x128xf32, #tpu.memory_space<vmem>>, %arg3: memref<1x512x8xf32, #tpu.memory_space<vmem>>, %arg4: memref<1x512x32xf32, #tpu.memory_space<vmem>>, %arg5: memref<64x64xf32, #tpu.memory_space<vmem>>, %arg6: memref<32x64xf32, #tpu.memory_space<vmem>>, %arg7: memref<1x64xf32, #tpu.memory_space<vmem>>, %arg8: memref<1x512x64xf32, #tpu.memory_space<vmem>>, %arg9: memref<1x64xf32, #tpu.memory_space<vmem>>, %arg10: memref<1x64xf32, #tpu.memory_space<vmem>>) attributes {dimension_semantics = [#tpu.dimension_semantics<arbitrary>, #tpu.dimension_semantics<arbitrary>], iteration_bounds = array<i64: 4, 16>, scalar_prefetch = 0 : i64, scratch_operands = 0 : i64, tpu.core_type = #tpu.core_type<tc>, window_params = [{transform_indices = @transform_0, window_bounds = array<i64: 1, 512, 8, 128>}, {transform_indices = @transform_1, window_bounds = array<i64: 1, 512, 8>}, {transform_indices = @transform_2, window_bounds = array<i64: 1, 512, 32>}, {pipeline_mode = #tpu.pipeline_mode<synchronous>, transform_indices = @transform_3, window_bounds = array<i64: 64, 64>}, {pipeline_mode = #tpu.pipeline_mode<synchronous>, transform_indices = @transform_4, window_bounds = array<i64: 32, 64>}, {pipeline_mode = #tpu.pipeline_mode<synchronous>, transform_indices = @transform_5, window_bounds = array<i64: 1, 64>}, {transform_indices = @transform_6, window_bounds = array<i64: 1, 512, 64>}, {pipeline_mode = #tpu.pipeline_mode<synchronous>, transform_indices = @transform_7, window_bounds = array<i64: 1, 64>}, {pipeline_mode = #tpu.pipeline_mode<synchronous>, transform_indices = @transform_8, window_bounds = array<i64: 1, 64>}]} {
    %get3A = arith.constant 0 : index
    %get3A_0 = arith.constant 0 : index
    %get3A_1 = arith.constant 0 : index
    %get3A_2 = vector.load %arg3[%get3A, %get3A_0, %get3A_1] : memref<1x512x8xf32, #tpu.memory_space<vmem>>, vector<1x512x8xf32>
    %get3A_3 = vector.shape_cast %get3A_2 : vector<1x512x8xf32> to vector<512x8xf32>
    %get3A_4 = arith.constant 0 : index
    %get3A_5 = arith.constant 0 : index
    %get3A_6 = arith.constant 0 : index
    %get3A_7 = arith.constant 0 : index
    %get3A_8 = vector.load %arg2[%get3A_4, %get3A_5, %get3A_6, %get3A_7] : memref<1x512x8x128xf32, #tpu.memory_space<vmem>>, vector<1x512x1x64xf32>
    %get3A_9 = vector.shape_cast %get3A_8 : vector<1x512x1x64xf32> to vector<512x64xf32>
    %slice3A = vector.extract_strided_slice %get3A_3 {offsets = [0, 0], sizes = [512, 1], strides = [1, 1]} : vector<512x8xf32> to vector<512x1xf32>
    %mul3A = vector.broadcast %slice3A : vector<512x1xf32> to vector<512x64xf32>
    %mul3A_10 = arith.mulf %get3A_9, %mul3A : vector<512x64xf32>
    %get3A_11 = arith.constant 0 : index
    %get3A_12 = arith.constant 0 : index
    %get3A_13 = arith.constant 1 : index
    %get3A_14 = arith.constant 0 : index
    %get3A_15 = vector.load %arg2[%get3A_11, %get3A_12, %get3A_13, %get3A_14] : memref<1x512x8x128xf32, #tpu.memory_space<vmem>>, vector<1x512x1x64xf32>
    %get3A_16 = vector.shape_cast %get3A_15 : vector<1x512x1x64xf32> to vector<512x64xf32>
    %slice3A_17 = vector.extract_strided_slice %get3A_3 {offsets = [0, 1], sizes = [512, 1], strides = [1, 1]} : vector<512x8xf32> to vector<512x1xf32>
    %mul3A_18 = vector.broadcast %slice3A_17 : vector<512x1xf32> to vector<512x64xf32>
    %mul3A_19 = arith.mulf %get3A_16, %mul3A_18 : vector<512x64xf32>
    %add3A = arith.addf %mul3A_10, %mul3A_19 : vector<512x64xf32>
    %get3A_20 = arith.constant 0 : index
    %get3A_21 = arith.constant 0 : index
    %get3A_22 = arith.constant 2 : index
    %get3A_23 = arith.constant 0 : index
    %get3A_24 = vector.load %arg2[%get3A_20, %get3A_21, %get3A_22, %get3A_23] : memref<1x512x8x128xf32, #tpu.memory_space<vmem>>, vector<1x512x1x64xf32>
    %get3A_25 = vector.shape_cast %get3A_24 : vector<1x512x1x64xf32> to vector<512x64xf32>
    %slice3A_26 = vector.extract_strided_slice %get3A_3 {offsets = [0, 2], sizes = [512, 1], strides = [1, 1]} : vector<512x8xf32> to vector<512x1xf32>
    %mul3A_27 = vector.broadcast %slice3A_26 : vector<512x1xf32> to vector<512x64xf32>
    %mul3A_28 = arith.mulf %get3A_25, %mul3A_27 : vector<512x64xf32>
    %add3A_29 = arith.addf %add3A, %mul3A_28 : vector<512x64xf32>
    %get3A_30 = arith.constant 0 : index
    %get3A_31 = arith.constant 0 : index
    %get3A_32 = arith.constant 3 : index
    %get3A_33 = arith.constant 0 : index
    %get3A_34 = vector.load %arg2[%get3A_30, %get3A_31, %get3A_32, %get3A_33] : memref<1x512x8x128xf32, #tpu.memory_space<vmem>>, vector<1x512x1x64xf32>
    %get3A_35 = vector.shape_cast %get3A_34 : vector<1x512x1x64xf32> to vector<512x64xf32>
    %slice3A_36 = vector.extract_strided_slice %get3A_3 {offsets = [0, 3], sizes = [512, 1], strides = [1, 1]} : vector<512x8xf32> to vector<512x1xf32>
    %mul3A_37 = vector.broadcast %slice3A_36 : vector<512x1xf32> to vector<512x64xf32>
    %mul3A_38 = arith.mulf %get3A_35, %mul3A_37 : vector<512x64xf32>
    %add3A_39 = arith.addf %add3A_29, %mul3A_38 : vector<512x64xf32>
    %get3A_40 = arith.constant 0 : index
    %get3A_41 = arith.constant 0 : index
    %get3A_42 = arith.constant 4 : index
    %get3A_43 = arith.constant 0 : index
    %get3A_44 = vector.load %arg2[%get3A_40, %get3A_41, %get3A_42, %get3A_43] : memref<1x512x8x128xf32, #tpu.memory_space<vmem>>, vector<1x512x1x64xf32>
    %get3A_45 = vector.shape_cast %get3A_44 : vector<1x512x1x64xf32> to vector<512x64xf32>
    %slice3A_46 = vector.extract_strided_slice %get3A_3 {offsets = [0, 4], sizes = [512, 1], strides = [1, 1]} : vector<512x8xf32> to vector<512x1xf32>
    %mul3A_47 = vector.broadcast %slice3A_46 : vector<512x1xf32> to vector<512x64xf32>
    %mul3A_48 = arith.mulf %get3A_45, %mul3A_47 : vector<512x64xf32>
    %add3A_49 = arith.addf %add3A_39, %mul3A_48 : vector<512x64xf32>
    %get3A_50 = arith.constant 0 : index
    %get3A_51 = arith.constant 0 : index
    %get3A_52 = arith.constant 5 : index
    %get3A_53 = arith.constant 0 : index
    %get3A_54 = vector.load %arg2[%get3A_50, %get3A_51, %get3A_52, %get3A_53] : memref<1x512x8x128xf32, #tpu.memory_space<vmem>>, vector<1x512x1x64xf32>
    %get3A_55 = vector.shape_cast %get3A_54 : vector<1x512x1x64xf32> to vector<512x64xf32>
    %slice3A_56 = vector.extract_strided_slice %get3A_3 {offsets = [0, 5], sizes = [512, 1], strides = [1, 1]} : vector<512x8xf32> to vector<512x1xf32>
    %mul3A_57 = vector.broadcast %slice3A_56 : vector<512x1xf32> to vector<512x64xf32>
    %mul3A_58 = arith.mulf %get3A_55, %mul3A_57 : vector<512x64xf32>
    %add3A_59 = arith.addf %add3A_49, %mul3A_58 : vector<512x64xf32>
    %get3A_60 = arith.constant 0 : index
    %get3A_61 = arith.constant 0 : index
    %get3A_62 = arith.constant 6 : index
    %get3A_63 = arith.constant 0 : index
    %get3A_64 = vector.load %arg2[%get3A_60, %get3A_61, %get3A_62, %get3A_63] : memref<1x512x8x128xf32, #tpu.memory_space<vmem>>, vector<1x512x1x64xf32>
    %get3A_65 = vector.shape_cast %get3A_64 : vector<1x512x1x64xf32> to vector<512x64xf32>
    %slice3A_66 = vector.extract_strided_slice %get3A_3 {offsets = [0, 6], sizes = [512, 1], strides = [1, 1]} : vector<512x8xf32> to vector<512x1xf32>
    %mul3A_67 = vector.broadcast %slice3A_66 : vector<512x1xf32> to vector<512x64xf32>
    %mul3A_68 = arith.mulf %get3A_65, %mul3A_67 : vector<512x64xf32>
    %add3A_69 = arith.addf %add3A_59, %mul3A_68 : vector<512x64xf32>
    %get3A_70 = arith.constant 0 : index
    %get3A_71 = arith.constant 0 : index
    %get3A_72 = arith.constant 7 : index
    %get3A_73 = arith.constant 0 : index
    %get3A_74 = vector.load %arg2[%get3A_70, %get3A_71, %get3A_72, %get3A_73] : memref<1x512x8x128xf32, #tpu.memory_space<vmem>>, vector<1x512x1x64xf32>
    %get3A_75 = vector.shape_cast %get3A_74 : vector<1x512x1x64xf32> to vector<512x64xf32>
    %slice3A_76 = vector.extract_strided_slice %get3A_3 {offsets = [0, 7], sizes = [512, 1], strides = [1, 1]} : vector<512x8xf32> to vector<512x1xf32>
    %mul3A_77 = vector.broadcast %slice3A_76 : vector<512x1xf32> to vector<512x64xf32>
    %mul3A_78 = arith.mulf %get3A_75, %mul3A_77 : vector<512x64xf32>
    %add3A_79 = arith.addf %add3A_69, %mul3A_78 : vector<512x64xf32>
    %get3A_80 = arith.constant 0 : index
    %get3A_81 = arith.constant 0 : index
    %get3A_82 = vector.load %arg5[%get3A_80, %get3A_81] : memref<64x64xf32, #tpu.memory_space<vmem>>, vector<64x64xf32>
    %dot_general3A = arith.constant dense<0.000000e+00> : vector<512x64xf32>
    %dot_general3A_83 = tpu.matmul %add3A_79, %get3A_82, %dot_general3A {dimension_numbers = #tpu.dot_dimension_numbers<[1], [0], [0], [1], [0, 0, 1, 1], [], []>, transpose_lhs_hint = false} : vector<512x64xf32>, vector<64x64xf32>, vector<512x64xf32> -> vector<512x64xf32>
    %get3A_84 = arith.constant 0 : index
    %get3A_85 = arith.constant 0 : index
    %get3A_86 = arith.constant 0 : index
    %get3A_87 = vector.load %arg4[%get3A_84, %get3A_85, %get3A_86] : memref<1x512x32xf32, #tpu.memory_space<vmem>>, vector<1x512x32xf32>
    %get3A_88 = vector.shape_cast %get3A_87 : vector<1x512x32xf32> to vector<512x32xf32>
    %get3A_89 = arith.constant 0 : index
    %get3A_90 = arith.constant 0 : index
    %get3A_91 = vector.load %arg6[%get3A_89, %get3A_90] : memref<32x64xf32, #tpu.memory_space<vmem>>, vector<32x64xf32>
    %dot_general3A_92 = arith.constant dense<0.000000e+00> : vector<512x64xf32>
    %dot_general3A_93 = tpu.matmul %get3A_88, %get3A_91, %dot_general3A_92 {dimension_numbers = #tpu.dot_dimension_numbers<[1], [0], [0], [1], [0, 0, 1, 1], [], []>, transpose_lhs_hint = false} : vector<512x32xf32>, vector<32x64xf32>, vector<512x64xf32> -> vector<512x64xf32>
    %add3A_94 = arith.addf %dot_general3A_83, %dot_general3A_93 : vector<512x64xf32>
    %get3A_95 = arith.constant 0 : index
    %get3A_96 = arith.constant 0 : index
    %get3A_97 = vector.load %arg7[%get3A_95, %get3A_96] : memref<1x64xf32, #tpu.memory_space<vmem>>, vector<1x64xf32>
    %add3A_98 = vector.broadcast %get3A_97 : vector<1x64xf32> to vector<512x64xf32>
    %add3A_99 = arith.addf %add3A_94, %add3A_98 : vector<512x64xf32>
    %swap3A = arith.constant 0 : index
    %swap3A_100 = arith.constant 0 : index
    %swap3A_101 = arith.constant 0 : index
    %swap3A_102 = vector.load %arg8[%swap3A, %swap3A_100, %swap3A_101] : memref<1x512x64xf32, #tpu.memory_space<vmem>>, vector<1x512x64xf32>
    %swap3A_103 = vector.shape_cast %swap3A_102 : vector<1x512x64xf32> to vector<512x64xf32>
    %swap3A_104 = vector.shape_cast %add3A_99 : vector<512x64xf32> to vector<1x512x64xf32>
    tpu.vector_store %arg8[%swap3A, %swap3A_100, %swap3A_101], %swap3A_104 {strides = array<i32>} : memref<1x512x64xf32, #tpu.memory_space<vmem>>, vector<1x512x64xf32>,
    %eq3A = arith.constant 0 : i32
    %eq3A_105 = arith.cmpi eq, %arg0, %eq3A : i32
    %eq3A_106 = arith.constant 0 : i32
    %eq3A_107 = arith.cmpi eq, %arg1, %eq3A_106 : i32
    %and3A = arith.andi %eq3A_105, %eq3A_107 : i1
    %convert_element_type3A = arith.extui %and3A : i1 to i32
    %cond3A = arith.constant 0 : i32
    %cond3A_108 = arith.cmpi ne, %convert_element_type3A, %cond3A : i32
    scf.if %cond3A_108 {
      %broadcast_in_dim3A_128 = arith.constant 0.000000e+00 : f32
      %broadcast_in_dim3A_129 = vector.broadcast %broadcast_in_dim3A_128 : f32 to vector<1x64xf32>
      %swap3A_130 = arith.constant 0 : index
      %swap3A_131 = arith.constant 0 : index
      %swap3A_132 = vector.load %arg9[%swap3A_130, %swap3A_131] : memref<1x64xf32, #tpu.memory_space<vmem>>, vector<1x64xf32>
      tpu.vector_store %arg9[%swap3A_130, %swap3A_131], %broadcast_in_dim3A_129 {strides = array<i32>} : memref<1x64xf32, #tpu.memory_space<vmem>>, vector<1x64xf32>,
      %broadcast_in_dim3A_133 = arith.constant 0.000000e+00 : f32
      %broadcast_in_dim3A_134 = vector.broadcast %broadcast_in_dim3A_133 : f32 to vector<1x64xf32>
      %swap3A_135 = arith.constant 0 : index
      %swap3A_136 = arith.constant 0 : index
      %swap3A_137 = vector.load %arg10[%swap3A_135, %swap3A_136] : memref<1x64xf32, #tpu.memory_space<vmem>>, vector<1x64xf32>
      tpu.vector_store %arg10[%swap3A_135, %swap3A_136], %broadcast_in_dim3A_134 {strides = array<i32>} : memref<1x64xf32, #tpu.memory_space<vmem>>, vector<1x64xf32>,
    } else {
    }
    %get3A_109 = arith.constant 0 : index
    %get3A_110 = arith.constant 0 : index
    %get3A_111 = vector.load %arg9[%get3A_109, %get3A_110] : memref<1x64xf32, #tpu.memory_space<vmem>>, vector<1x64xf32>
    %reduce_sum3A = arith.constant dense<0.000000e+00> : vector<64xf32>
    %reduce_sum3A_112 = vector.multi_reduction <add>, %add3A_99, %reduce_sum3A [0] : vector<512x64xf32> to vector<64xf32>
    %broadcast_in_dim3A = vector.shape_cast %reduce_sum3A_112 : vector<64xf32> to vector<1x64xf32>
    %add3A_113 = arith.addf %get3A_111, %broadcast_in_dim3A : vector<1x64xf32>
    %swap3A_114 = arith.constant 0 : index
    %swap3A_115 = arith.constant 0 : index
    %swap3A_116 = vector.load %arg9[%swap3A_114, %swap3A_115] : memref<1x64xf32, #tpu.memory_space<vmem>>, vector<1x64xf32>
    tpu.vector_store %arg9[%swap3A_114, %swap3A_115], %add3A_113 {strides = array<i32>} : memref<1x64xf32, #tpu.memory_space<vmem>>, vector<1x64xf32>,
    %get3A_117 = arith.constant 0 : index
    %get3A_118 = arith.constant 0 : index
    %get3A_119 = vector.load %arg10[%get3A_117, %get3A_118] : memref<1x64xf32, #tpu.memory_space<vmem>>, vector<1x64xf32>
    %mul3A_120 = arith.mulf %add3A_99, %add3A_99 : vector<512x64xf32>
    %reduce_sum3A_121 = arith.constant dense<0.000000e+00> : vector<64xf32>
    %reduce_sum3A_122 = vector.multi_reduction <add>, %mul3A_120, %reduce_sum3A_121 [0] : vector<512x64xf32> to vector<64xf32>
    %broadcast_in_dim3A_123 = vector.shape_cast %reduce_sum3A_122 : vector<64xf32> to vector<1x64xf32>
    %add3A_124 = arith.addf %get3A_119, %broadcast_in_dim3A_123 : vector<1x64xf32>
    %swap3A_125 = arith.constant 0 : index
    %swap3A_126 = arith.constant 0 : index
    %swap3A_127 = vector.load %arg10[%swap3A_125, %swap3A_126] : memref<1x64xf32, #tpu.memory_space<vmem>>, vector<1x64xf32>
    tpu.vector_store %arg10[%swap3A_125, %swap3A_126], %add3A_124 {strides = array<i32>} : memref<1x64xf32, #tpu.memory_space<vmem>>, vector<1x64xf32>,
    return
  }
  func.func @transform_0(%arg0: i32, %arg1: i32) -> (i32, i32, i32, i32) {
    %c0_i32 = arith.constant 0 : i32
    %c0_i32_0 = arith.constant 0 : i32
    %c0_i32_1 = arith.constant 0 : i32
    return %arg0, %arg1, %c0_i32, %c0_i32_0 : i32, i32, i32, i32
  }
  func.func @transform_1(%arg0: i32, %arg1: i32) -> (i32, i32, i32) {
    %c0_i32 = arith.constant 0 : i32
    %c0_i32_0 = arith.constant 0 : i32
    return %arg0, %arg1, %c0_i32 : i32, i32, i32
  }
  func.func @transform_2(%arg0: i32, %arg1: i32) -> (i32, i32, i32) {
    %c0_i32 = arith.constant 0 : i32
    %c0_i32_0 = arith.constant 0 : i32
    return %arg0, %arg1, %c0_i32 : i32, i32, i32
  }
  func.func @transform_3(%arg0: i32, %arg1: i32) -> (i32, i32) {
    %c0_i32 = arith.constant 0 : i32
    %c0_i32_0 = arith.constant 0 : i32
    %c0_i32_1 = arith.constant 0 : i32
    return %c0_i32, %c0_i32_0 : i32, i32
  }
  func.func @transform_4(%arg0: i32, %arg1: i32) -> (i32, i32) {
    %c0_i32 = arith.constant 0 : i32
    %c0_i32_0 = arith.constant 0 : i32
    %c0_i32_1 = arith.constant 0 : i32
    return %c0_i32, %c0_i32_0 : i32, i32
  }
  func.func @transform_5(%arg0: i32, %arg1: i32) -> (i32, i32) {
    %c0_i32 = arith.constant 0 : i32
    %c0_i32_0 = arith.constant 0 : i32
    %c0_i32_1 = arith.constant 0 : i32
    return %c0_i32, %c0_i32_0 : i32, i32
  }
  func.func @transform_6(%arg0: i32, %arg1: i32) -> (i32, i32, i32) {
    %c0_i32 = arith.constant 0 : i32
    %c0_i32_0 = arith.constant 0 : i32
    return %arg0, %arg1, %c0_i32 : i32, i32, i32
  }
  func.func @transform_7(%arg0: i32, %arg1: i32) -> (i32, i32) {
    %c0_i32 = arith.constant 0 : i32
    %c0_i32_0 = arith.constant 0 : i32
    %c0_i32_1 = arith.constant 0 : i32
    return %c0_i32, %c0_i32_0 : i32, i32
  }
  func.func @transform_8(%arg0: i32, %arg1: i32) -> (i32, i32) {
    %c0_i32 = arith.constant 0 : i32
    %c0_i32_0 = arith.constant 0 : i32
    %c0_i32_1 = arith.constant 0 : i32
    return %c0_i32, %c0_i32_0 : i32, i32
  }
}

module attributes {stable_mosaic.version = 14 : i64} {
  func.func @_bn_relu_body(%arg0: i32, %arg1: i32, %arg2: memref<1x512x64xf32, #tpu.memory_space<vmem>>, %arg3: memref<1x64xf32, #tpu.memory_space<vmem>>, %arg4: memref<1x64xf32, #tpu.memory_space<vmem>>, %arg5: memref<1x64x512xf32, #tpu.memory_space<vmem>>) attributes {dimension_semantics = [#tpu.dimension_semantics<arbitrary>, #tpu.dimension_semantics<arbitrary>], iteration_bounds = array<i64: 4, 16>, scalar_prefetch = 0 : i64, scratch_operands = 0 : i64, tpu.core_type = #tpu.core_type<tc>, window_params = [{transform_indices = @transform_0, window_bounds = array<i64: 1, 512, 64>}, {pipeline_mode = #tpu.pipeline_mode<synchronous>, transform_indices = @transform_1, window_bounds = array<i64: 1, 64>}, {pipeline_mode = #tpu.pipeline_mode<synchronous>, transform_indices = @transform_2, window_bounds = array<i64: 1, 64>}, {transform_indices = @transform_3, window_bounds = array<i64: 1, 64, 512>}]} {
    %get3A = arith.constant 0 : index
    %get3A_0 = arith.constant 0 : index
    %get3A_1 = arith.constant 0 : index
    %get3A_2 = vector.load %arg2[%get3A, %get3A_0, %get3A_1] : memref<1x512x64xf32, #tpu.memory_space<vmem>>, vector<1x512x64xf32>
    %get3A_3 = vector.shape_cast %get3A_2 : vector<1x512x64xf32> to vector<512x64xf32>
    %get3A_4 = arith.constant 0 : index
    %get3A_5 = arith.constant 0 : index
    %get3A_6 = vector.load %arg3[%get3A_4, %get3A_5] : memref<1x64xf32, #tpu.memory_space<vmem>>, vector<1x64xf32>
    %mul3A = vector.broadcast %get3A_6 : vector<1x64xf32> to vector<512x64xf32>
    %mul3A_7 = arith.mulf %get3A_3, %mul3A : vector<512x64xf32>
    %get3A_8 = arith.constant 0 : index
    %get3A_9 = arith.constant 0 : index
    %get3A_10 = vector.load %arg4[%get3A_8, %get3A_9] : memref<1x64xf32, #tpu.memory_space<vmem>>, vector<1x64xf32>
    %add3A = vector.broadcast %get3A_10 : vector<1x64xf32> to vector<512x64xf32>
    %add3A_11 = arith.addf %mul3A_7, %add3A : vector<512x64xf32>
    %max3A = arith.constant 0.000000e+00 : f32
    %max3A_12 = vector.broadcast %max3A : f32 to vector<512x64xf32>
    %max3A_13 = arith.maximumf %add3A_11, %max3A_12 : vector<512x64xf32>
    %transpose3A = tpu.transpose %max3A_13, [1, 0] : vector<512x64xf32> -> vector<64x512xf32>
    %swap3A = arith.constant 0 : index
    %swap3A_14 = arith.constant 0 : index
    %swap3A_15 = arith.constant 0 : index
    %swap3A_16 = vector.load %arg5[%swap3A, %swap3A_14, %swap3A_15] : memref<1x64x512xf32, #tpu.memory_space<vmem>>, vector<1x64x512xf32>
    %swap3A_17 = vector.shape_cast %swap3A_16 : vector<1x64x512xf32> to vector<64x512xf32>
    %swap3A_18 = vector.shape_cast %transpose3A : vector<64x512xf32> to vector<1x64x512xf32>
    tpu.vector_store %arg5[%swap3A, %swap3A_14, %swap3A_15], %swap3A_18 {strides = array<i32>} : memref<1x64x512xf32, #tpu.memory_space<vmem>>, vector<1x64x512xf32>,
    return
  }
  func.func @transform_0(%arg0: i32, %arg1: i32) -> (i32, i32, i32) {
    %c0_i32 = arith.constant 0 : i32
    %c0_i32_0 = arith.constant 0 : i32
    return %arg0, %arg1, %c0_i32 : i32, i32, i32
  }
  func.func @transform_1(%arg0: i32, %arg1: i32) -> (i32, i32) {
    %c0_i32 = arith.constant 0 : i32
    %c0_i32_0 = arith.constant 0 : i32
    %c0_i32_1 = arith.constant 0 : i32
    return %c0_i32, %c0_i32_0 : i32, i32
  }
  func.func @transform_2(%arg0: i32, %arg1: i32) -> (i32, i32) {
    %c0_i32 = arith.constant 0 : i32
    %c0_i32_0 = arith.constant 0 : i32
    %c0_i32_1 = arith.constant 0 : i32
    return %c0_i32, %c0_i32_0 : i32, i32
  }
  func.func @transform_3(%arg0: i32, %arg1: i32) -> (i32, i32, i32) {
    %c0_i32 = arith.constant 0 : i32
    %c0_i32_0 = arith.constant 0 : i32
    return %arg0, %c0_i32, %arg1 : i32, i32, i32
  }
}

</mosaic_0001>

<sc_bundles>
// kernel: kernel.7.cloned.1.call-start
scs
__scs_entry_jumppad:
0x0: {  	(pc) =	sbr.rel $0x88, $3  }
0x1: {  	(tag) =	ssettag $0x0;
	lr =	simm.s32 $0x1  }
0x2: {  	[smem:$0x3F93] =	sst lr;
	_ =	strace $0xD0000000  }
0x3: {  	_ = 	snop  }
0x4: {  	_ = 	snop  }
0x5: {  	_ = 	snop  }
0x6: {  	_ = 	snop  }
0x7: {  	_ = 	snop  }
__scs_overlays_trampoline_lowered:
0x8: {  	[smem:$0x3FA2] =	sst s0  }
0x9: {  	[smem:$0x3FA3] =	sst s1  }
0xa: {  	[smem:$0x3FA4] =	sst s2  }
0xb: {  	[smem:$0x3FA5] =	sst s3  }
0xc: {  	[smem:$0x3FA6] =	sst s4  }
0xd: {  	[smem:$0x3FA7] =	sst s5  }
0xe: {  	[smem:$0x3FA8] =	sst s6  }
0xf: {  	[smem:$0x3FA9] =	sst s7  }
0x10: {  	[smem:$0x3FAA] =	sst s8  }
0x11: {  	[smem:$0x3FAB] =	sst s9;
	s0 =	simm.s32 @!p0 $0x0  }
0x12: {  	s1 =	sld [smem:$0x3F91];
	s0 =	simm.s32 @p0 $0x1  }
0x13: {  	[smem:$0x3FAC] =	sst s0;
	s0 =	simm.s32 @!p1 $0x0  }
0x14: {  	s2 =	sld [smem:$0x3F90];
	s0 =	simm.s32 @p1 $0x1  }
0x15: {  	[smem:$0x3FAD] =	sst s0;
	s0 =	simm.s32 @!p2 $0x0  }
0x16: {  	s3 =	sld [smem:$0x3FDB];
	s0 =	simm.s32 @p2 $0x1  }
0x17: {  	s4 =	simm.s32 $0x1BF5;
	[smem:$0x3FAF] =	sst s0  }
0x18: {  	s0 =	sld [smem:$0x3F92];
	_ =	swait.ge [sflag:s4], $0x0  }
0x19: {  	s7 =	sld [smem:$0x3F93]  }
0x1a: {  	s8 =	sadd.s32 $0xFFFFE003, lr  }
0x1b: {  	s9 =	sadd.s32 $0xFFFFFEF7, lr;
	s5 =	simm.s32 $0xFFFFFFFF;
	p2 =	slt.u32 s8, $0xFFFFF086  }
0x1c: {  	p1 =	slt.u32 s9, $0xF7A;
	s5 =	simm.s32 @!p2 $0x0  }
0x1d: {  	s5 =	simm.s32 @p1 $0x1;
	p0 =	seq.s32 s7, s2  }
0x1e: {  	s7 =	smul.u32 @!p0 $0xF7A, s2;
	p2 =	seq.s32 @!p0 s5, $0x0  }
0x1f: {  	s9 =	smul.u32 $0xF7A, s1;
	s8 =	simm.s32 @!p0 $0x1BF5;
	p2 =	por !p2, p0  }
0x20: {  	[sflag:s8] =	ssyncset.s32 @!p0 $0xFFFFF086;
	s6 =	sadd.s32 @!p0 s3, s7;
	s7 =	simm.s32 @!p0 $0x108  }
0x21: {  	s3 =	sadd.s32 s3, s9;
	s6 =	sadd.s32 @!p0 $0x88, s6;
	s7 =	simm.s32 @p2 $0x1082  }
0x22: {  	[simem:s7], [sflag:s8] =	dma.local @!p0 [hbm:s6], $0xF7A  }
0x23: {  	s9 =	sor.u32 $0xD0000000, s2;
	s6 =	simm.s32 $0x108;
	_ =	swait.ge @!p0 [sflag:s8], $0x0  }
0x24: {  	s3 =	sadd.s32 $0x88, s3;
	s6 =	simm.s32 @!p1 $0x1082;
	[sflag:s4] =	ssyncset.s32 $0xFFFFF086  }
0x25: {  	[simem:s6], [sflag:s4] =	dma.local [hbm:s3], $0xF7A  }
0x26: {  	[smem:$0x3F93] =	sst s1;
	(tag) =	ssettag s2;
	_ =	strace s9  }
0x27: {  	s1 =	sld [smem:$0x3FA3]  }
0x28: {  	s2 =	sld [smem:$0x3FA4]  }
0x29: {  	s4 =	sld [smem:$0x3FA6]  }
0x2a: {  	p0 =	seq.s32 s5, $0x0;
	s5 =	sld [smem:$0x3FA7]  }
0x2b: {  	s6 =	sld [smem:$0x3FA8]  }
0x2c: {  	s7 =	sld [smem:$0x3FA9]  }
0x2d: {  	s3 =	simm.s32 $0x108;
	s8 =	sld [smem:$0x3FAA]  }
0x2e: {  	s3 =	simm.s32 @!p0 $0x1082;
	s9 =	sld [smem:$0x3FAB]  }
0x2f: {  	lr =	sadd.s32 s0, s3;
	s0 =	sld [smem:$0x3FA2]  }
0x30: {  	s3 =	sld [smem:$0x3FA5]  }
0x31: {  	[smem:$0x3FAE] =	sst s10  }
0x32: {  	s10 =	sld [smem:$0x3FAC];
	_ =	sdelay $0x3  }
0x33: {  	p0 =	seq.s32 s10, $0x1;
	s10 =	sld [smem:$0x3FAE];
	_ =	sdelay $0x3  }
0x34: {  	[smem:$0x3FAE] =	sst s10  }
0x35: {  	s10 =	sld [smem:$0x3FAD];
	_ =	sdelay $0x3  }
0x36: {  	p1 =	seq.s32 s10, $0x1;
	s10 =	sld [smem:$0x3FAE];
	_ =	sdelay $0x3  }
0x37: {  	[smem:$0x3FAE] =	sst s10  }
0x38: {  	s10 =	sld [smem:$0x3FAF]  }
0x39: {  	_ = 	snop;
	(pc) =	sbr.ind lr, $3  }
0x3a: {  	_ = 	snop  }
0x3b: {  	_ = 	snop  }
0x3c: {  	p2 =	seq.s32 s10, $0x1;
	s10 =	sld [smem:$0x3FAE]  }
0x3d: {  	_ =	shalt  }
0x3e: {  	_ =	shalt  }
0x3f: {  	_ =	shalt  }
0x40: {  	_ =	shalt  }
0x41: {  	_ =	shalt  }
0x42: {  	_ =	shalt  }
0x43: {  	_ =	shalt  }
0x44: {  	_ =	shalt  }
0x45: {  	_ =	shalt  }
0x46: {  	_ =	shalt  }
0x47: {  	_ =	shalt  }
0x48: {  	_ =	shalt  }
0x49: {  	_ =	shalt  }
0x4a: {  	_ =	shalt  }
0x4b: {  	_ =	shalt  }
0x4c: {  	_ =	shalt  }
0x4d: {  	_ =	shalt  }
0x4e: {  	_ =	shalt  }
0x4f: {  	_ =	shalt  }
0x50: {  	_ =	shalt  }
0x51: {  	_ =	shalt  }
0x52: {  	_ =	shalt  }
0x53: {  	_ =	shalt  }
0x54: {  	_ =	shalt  }
0x55: {  	_ =	shalt  }
0x56: {  	_ =	shalt  }
0x57: {  	_ =	shalt  }
0x58: {  	_ =	shalt  }
0x59: {  	_ =	shalt  }
0x5a: {  	_ =	shalt  }
0x5b: {  	_ =	shalt  }
0x5c: {  	_ =	shalt  }
0x5d: {  	_ =	shalt  }
0x5e: {  	_ =	shalt  }
0x5f: {  	_ =	shalt  }
0x60: {  	_ =	shalt  }
0x61: {  	_ =	shalt  }
0x62: {  	_ =	shalt  }
0x63: {  	_ =	shalt  }
0x64: {  	_ =	shalt  }
0x65: {  	_ =	shalt  }
0x66: {  	_ =	shalt  }
0x67: {  	_ =	shalt  }
0x68: {  	_ =	shalt  }
0x69: {  	_ =	shalt  }
0x6a: {  	_ =	shalt  }
0x6b: {  	_ =	shalt  }
0x6c: {  	_ =	shalt  }
0x6d: {  	_ =	shalt  }
0x6e: {  	_ =	shalt  }
0x6f: {  	_ =	shalt  }
0x70: {  	_ =	shalt  }
0x71: {  	_ =	shalt  }
0x72: {  	_ =	shalt  }
0x73: {  	_ =	shalt  }
0x74: {  	_ =	shalt  }
0x75: {  	_ =	shalt  }
0x76: {  	_ =	shalt  }
0x77: {  	_ =	shalt  }
0x78: {  	_ =	shalt  }
0x79: {  	_ =	shalt  }
0x7a: {  	_ =	shalt  }
0x7b: {  	_ =	shalt  }
0x7c: {  	_ =	shalt  }
0x7d: {  	_ =	shalt  }
0x7e: {  	_ =	shalt  }
0x7f: {  	_ =	shalt  }
0x80: {  	_ =	shalt  }
0x81: {  	_ =	shalt  }
0x82: {  	_ =	shalt  }
0x83: {  	_ =	shalt  }
0x84: {  	_ =	shalt  }
0x85: {  	_ =	shalt  }
0x86: {  	_ =	shalt  }
0x87: {  	_ =	shalt  }
.Lfunc_end0:
.L_simem_size_0:
called_computation_lowered:
.L_overlay_start_0:
0x88: {  	s2 =	sld [smem:$0x3FD9]  }
0x89: {  	s3 =	sld [smem:$0x3FFE];
	_ =	sdelay $0x1  }
0x8a: {  	s1 =	srdreg.scid  }
0x8b: {  	s0 =	sand.u32 $0x1, s1  }
0x8c: {  	s14 =	sshll.u32 s0, $0xA;
	s2 =	sadd.s32 s3, s2  }
0x8d: {  	s2 =	sadd.s32 s2, s14  }
0x8e: {  	[smem:$0x3FBA] =	sst s2  }
0x8f: {  	_ = 	snop  }
0x90: {  	s2 =	sld [smem:$0x3FD0];
	_ =	sdelay $0x2  }
0x91: {  	s15 =	simm.s32 $0xA;
	s4 =	simm.s32 $0x10  }
0x92: {  	[smem:s4], [sflag:s15] =	dma.local [hbm:s2], $0x1  }
0x93: {  	_ =	swait.eq [sflag:s15], $0x1  }
0x94: {  	[sflag:s15] =	ssyncset.done $0x0  }
0x95: {  	[sflag:s15] =	ssyncadd.s32 $0xFFFFFFFF  }
0x96: {  	s16 =	sld [smem:$0x10];
	(tm) =	ssettm $0x1  }
0x97: {  	s17 =	sld [smem:$0x3FFB];
	_ =	sdelay $0x3  }
0x98: {  	_ =	strace s17  }
0x99: {  	s3 =	sld [smem:$0x3FFC];
	_ =	sdelay $0x3  }
0x9a: {  	_ =	strace s3  }
0x9b: {  	s3 =	sld [smem:$0x3FFD];
	_ =	sdelay $0x3  }
0x9c: {  	_ =	strace s3  }
0x9d: {  	_ =	strace $0x8FFFFFFF  }
0x9e: {  	s18 =	sld [smem:$0x3FDB];
	_ =	sdelay $0x1  }
0x9f: {  	s19 =	simm.s32 $_scs_section_size  }
0xa0: {  	s5 =	simm.s32 $_size__tile_overlayer_lowered;
	s6 =	simm.s32 $_tile_overlayer_lowered  }
0xa1: {  	s22 =	simm.s32 $0x1BFF;
	s21 =	sshll.u32 s6, $0x1;
	s3 =	sadd.s32 s19, s18  }
0xa2: {  	s7 =	simm.s32 $0x0;
	s20 =	sshll.u32 s5, $0x1;
	s5 =	sadd.s32 s21, s3  }
0xa3: {  	[timem:s7], [sflag:s22] =	dma.local [hbm:s5], s20  }
0xa4: {  	_ =	swait.ge [sflag:s22], s20  }
0xa5: {  	s4 =	ssub.s32 $0x0, s20;
	[sflag:s22] =	ssyncset.done $0x0  }
0xa6: {  	[sflag:s22] =	ssyncadd.s32 s4;
	_ =	sdelay $0x1  }
0xa7: {  	s23 =	simm.s32 $0x1B8B  }
0xa8: {  	_ =	swait.ge [sflag:s23], $0x1  }
0xa9: {  	[sflag:s23] =	ssyncset.done $0x0  }
0xaa: {  	s25 =	simm.s32 $0x1B8E;
	s24 =	sld [smem:$0x3FFE];
	[sflag:s23] =	ssyncadd.s32 $0xFFFFFFFF  }
0xab: {  	s26 =	simm.s32 $execute0_lowered;
	[smem:$0x3FD2] =	sst s25  }
0xac: {  	s5 =	sshll.u32 s26, $0x1;
	_ =	strace $0x80000046;
	[dreg:$0x1] =	wrdreg $0xFFFFFFFF  }
0xad: {  	s28 =	simm.s32 $_size_execute0_lowered;
	s3 =	sadd.s32 s3, s5;
	[dreg:$0x0] =	wrdreg $0x0  }
0xae: {  	s5 =	sshll.u32 s28, $0x1;
	[dreg:$0x2] =	wrdreg s3  }
0xaf: {  	[dreg:$0x3] =	wrdreg s5  }
0xb0: {  	[dreg:$0x4] =	wrdreg $0xC0  }
0xb1: {  	_ =	task [dreg:s7], $0x5FFFF  }
0xb2: {  	[dreg:$0x1] =	wrdreg $0xFFFFFFFF  }
0xb3: {  	[dreg:$0x0] =	wrdreg $0x60  }
0xb4: {  	[dreg:$0x2] =	wrdreg s16  }
0xb5: {  	[dreg:$0x3] =	wrdreg s24  }
0xb6: {  	[dreg:$0x4] =	wrdreg $0x9  }
0xb7: {  	_ =	task.clear_ibuf [dreg:s7], $0x5FFFF;
	_ =	strace $0x90000046  }
0xb8: {  	s29 =	simm.s32 $0x9;
	_ =	strace $0x80000048  }
0xb9: {  	_ =	swait.ge [sflag:s29], $0x1  }
0xba: {  	[sflag:s29] =	ssyncadd.s32 $0xFFFFFFFF  }
0xbb: {  	_ =	strace $0x90000048  }
0xbc: {  	_ =	sfence  }
0xbd: {  	s30 =	sld [smem:$0x0];
	_ =	sdelay $0x2  }
0xbe: {  	s31 =	sshll.u32 s1, $0xD;
	s1 =	sshrl.u32 s1, $0x2  }
0xbf: {  	s3 =	sand.u32 $0x4000, s31;
	s1 =	sadd.s32 s1, s30  }
0xc0: {  	s0 =	sor.u32 s3, s0;
	s1 =	sshll.u32 s1, $0x11  }
0xc1: {  	s0 =	sor.u32 s1, s0  }
0xc2: {  	s0 =	sadd.s32 $0x8F2B, s0  }
0xc3: {  	[sflag:s0] =	ssyncadd.remote.s32 $0x1  }
0xc4: {  	_ =	sfence.sel $0xFFFF  }
0xc5: {  	[dreg:$0x0] =	wrdreg $0xFFFFFFFF;
	(pc) =	sbr.abs _section_cstart, $3  }
0xc6: {  	[dreg:$0x1] =	wrdreg $0xFFFFFFFF  }
0xc7: {  	_ =	task.clear_ibuf [dreg:s7], $0x2FFFF;
	_ =	strace $0x9FFFFFFF  }
0xc8: {  	(tm) =	ssettm $0x7FFFFFFF  }
0xc9: {  	_ =	shalt  }
tec
execute0_lowered:
.L_overlay_start_1:
0x0: {  	(tag) =	ssettag $0x1  }
0x1: {  	s1 =	rddreg [dreg:$0x0]  }
0x2: {  	s4 =	rddreg [dreg:$0x1]  }
0x3: {  	s0 =	rddreg [dreg:$0x2];
	s3 =	simm.s32 $0x0;
	s5 =	srdreg.scid  }
0x4: {  	s2 =	stileid.u32;
	s10 =	simm.s32 $0x4400;
	s11 =	simm.s32 $0x100  }
0x5: {  	s12 =	simm.s32 $0x8400;
	s13 =	simm.s32 $0x180;
	s14 =	simm.s32 $0xC400  }
0x6: {  	s15 =	simm.s32 $0x1;
	s16 =	simm.s32 $0x200;
	s17 =	simm.s32 $0x280  }
0x7: {  	s18 =	simm.s32 $0x300;
	s19 =	simm.s32 $0x380;
	s20 =	simm.s32 $0x0  }
0x8: {  	[smem:$0x7FF] =	sst s3;
	s5 =	sand.u32 $0x1, s5;
	s6 =	sshll.u32 s2, $0xE  }
0x9: {  	s31 =	sshll.u32 s2, $0x12;
	_ =	strace $0x80000047;
	s7 =	sshll.u32 s5, $0xD  }
0xa: {  	s8 =	ssub.s32 $0x2, s5;
	s5 =	sshll.u32 s5, $0x11;
	s6 =	sor.u32 s7, s6  }
0xb: {  	s7 =	sadd.s32 s31, s4;
	s9 =	sshrl.u32 s8, $0x1;
	s6 =	sshrl.u32 s6, $0x3  }
0xc: {  	s8 =	ssub.s32 s8, s9;
	s5 =	sadd.s32 s5, s7;
	s7 =	simm.s32 $0x2  }
0xd: {  	s9 =	simm.s32 $0x400;
	s6 =	sadd.s32 s6, s4;
	s4 =	smax.u32 s8, $0x1  }
0xe: {  	s5 =	sadd.s32 $0x58D400, s5;
	s8 =	simm.s32 $0x80;
	s6 =	sadd.s32 $0x583400, s6  }
.LBB2_1:
0xf: {  	s21 =	sadd.s32 $0x0, s6  }
0x10: {  	[tilespmem:s3], [sflag:$0x2] =	stream.linear.gather [hbm4b:s21+s3], $0x400, $0x38;
	[tilespmem:$0x10400] =	vst v63  }
0x11: {  	_ =	swait.ge [sflag:s7], $0x400  }
0x12: {  	[sflag:s7] =	ssyncset.done $0x0  }
0x13: {  	[sflag:s7] =	ssyncadd.s32 $0xFFFFFC00  }
0x14: {  	[tilespmem:s9], [sflag:$0x1] =	stream.indirect.gather [hbm4b:s1+s8], $0x80, s3, s8, $0xb8;
	[tilespmem:$0x10400] =	vst v63  }
0x15: {  	_ = 	snop  }
0x16: {  	[tilespmem:s10], [sflag:$0x1] =	stream.indirect.gather [hbm4b:s1+s8], $0x80, s8, s8, $0xb8;
	[tilespmem:$0x10400] =	vst v63  }
0x17: {  	_ = 	snop  }
0x18: {  	[tilespmem:s12], [sflag:$0x1] =	stream.indirect.gather [hbm4b:s1+s8], $0x80, s11, s8, $0xb8;
	[tilespmem:$0x10400] =	vst v63  }
0x19: {  	_ = 	snop  }
0x1a: {  	[tilespmem:s14], [sflag:$0x1] =	stream.indirect.gather [hbm4b:s1+s8], $0x80, s13, s8, $0xb8;
	[tilespmem:$0x10400] =	vst v63  }
0x1b: {  	_ =	swait.ge [sflag:s15], $0x4000  }
0x1c: {  	[sflag:s15] =	ssyncset.done $0x0  }
0x1d: {  	[sflag:s15] =	ssyncadd.s32 $0xFFFFC000  }
0x1e: {  	_ =	swait.ge [sflag:s15], $0x4000  }
0x1f: {  	[sflag:s15] =	ssyncset.done $0x0  }
0x20: {  	[sflag:s15] =	ssyncadd.s32 $0xFFFFC000  }
0x21: {  	_ =	swait.ge [sflag:s15], $0x4000  }
0x22: {  	[sflag:s15] =	ssyncset.done $0x0  }
0x23: {  	[sflag:s15] =	ssyncadd.s32 $0xFFFFC000  }
0x24: {  	_ =	swait.ge [sflag:s15], $0x4000  }
0x25: {  	[sflag:s15] =	ssyncset.done $0x0  }
0x26: {  	s31 =	sadd.s32 $0xFFFFE000, s5;
	[sflag:s15] =	ssyncadd.s32 $0xFFFFC000  }
0x27: {  	[hbm4b:s31+s3] =	stream.linear.scatter [tilespmem:s9], [sflag:$0x2], $0x10000, $0x38;
	[tilespmem:$0x10400] =	vst v63  }
0x28: {  	_ =	swait.ge [sflag:s7], $0x10000  }
0x29: {  	[sflag:s7] =	ssyncset.done $0x0  }
0x2a: {  	[sflag:s7] =	ssyncadd.s32 $0xFFFF0000  }
0x2b: {  	[tilespmem:s9], [sflag:$0x1] =	stream.indirect.gather [hbm4b:s1+s8], $0x80, s16, s8, $0xb8;
	[tilespmem:$0x10400] =	vst v63  }
0x2c: {  	_ = 	snop  }
0x2d: {  	[tilespmem:s10], [sflag:$0x1] =	stream.indirect.gather [hbm4b:s1+s8], $0x80, s17, s8, $0xb8;
	[tilespmem:$0x10400] =	vst v63  }
0x2e: {  	_ = 	snop  }
0x2f: {  	[tilespmem:s12], [sflag:$0x1] =	stream.indirect.gather [hbm4b:s1+s8], $0x80, s18, s8, $0xb8;
	[tilespmem:$0x10400] =	vst v63  }
0x30: {  	_ = 	snop  }
0x31: {  	[tilespmem:s14], [sflag:$0x1] =	stream.indirect.gather [hbm4b:s1+s8], $0x80, s19, s8, $0xb8;
	[tilespmem:$0x10400] =	vst v63  }
0x32: {  	_ =	swait.ge [sflag:s15], $0x4000  }
0x33: {  	[sflag:s15] =	ssyncset.done $0x0  }
0x34: {  	[sflag:s15] =	ssyncadd.s32 $0xFFFFC000  }
0x35: {  	_ =	swait.ge [sflag:s15], $0x4000  }
0x36: {  	[sflag:s15] =	ssyncset.done $0x0  }
0x37: {  	[sflag:s15] =	ssyncadd.s32 $0xFFFFC000  }
0x38: {  	_ =	swait.ge [sflag:s15], $0x4000  }
0x39: {  	[sflag:s15] =	ssyncset.done $0x0  }
0x3a: {  	[sflag:s15] =	ssyncadd.s32 $0xFFFFC000  }
0x3b: {  	_ =	swait.ge [sflag:s15], $0x4000  }
0x3c: {  	[sflag:s15] =	ssyncset.done $0x0  }
0x3d: {  	[sflag:s15] =	ssyncadd.s32 $0xFFFFC000  }
0x3e: {  	[hbm4b:s5+s3] =	stream.linear.scatter [tilespmem:s9], [sflag:$0x2], $0x10000, $0x38;
	[tilespmem:$0x10400] =	vst v63  }
0x3f: {  	s22 =	simm.s32 $0x80;
	_ =	swait.ge [sflag:s7], $0x10000  }
0x40: {  	s24 =	simm.s32 $0x100;
	s21 =	sadd.s32 $0x4000, s5;
	[sflag:s7] =	ssyncset.done $0x0  }
.LBB2_2:
0x41: {  	s25 =	sadd.s32 s22, s6  }
0x42: {  	[sflag:s7] =	ssyncadd.s32 $0xFFFF0000;
	s22 =	smov.u32 s24;
	s23 =	sadd.s32 $0x80, s24  }
0x43: {  	[tilespmem:s3], [sflag:$0x2] =	stream.linear.gather [hbm4b:s25+s3], $0x400, $0x38;
	[tilespmem:$0x10400] =	vst v63  }
0x44: {  	p0 =	sne.s32 s24, $0x380;
	_ =	swait.ge [sflag:s7], $0x400  }
0x45: {  	[sflag:s7] =	ssyncset.done $0x0  }
0x46: {  	[sflag:s7] =	ssyncadd.s32 $0xFFFFFC00  }
0x47: {  	[tilespmem:s9], [sflag:$0x1] =	stream.indirect.gather [hbm4b:s1+s8], $0x80, s3, s8, $0xb8;
	[tilespmem:$0x10400] =	vst v63  }
0x48: {  	_ = 	snop  }
0x49: {  	[tilespmem:s10], [sflag:$0x1] =	stream.indirect.gather [hbm4b:s1+s8], $0x80, s8, s8, $0xb8;
	[tilespmem:$0x10400] =	vst v63  }
0x4a: {  	_ = 	snop  }
0x4b: {  	[tilespmem:s12], [sflag:$0x1] =	stream.indirect.gather [hbm4b:s1+s8], $0x80, s11, s8, $0xb8;
	[tilespmem:$0x10400] =	vst v63  }
0x4c: {  	_ = 	snop  }
0x4d: {  	[tilespmem:s14], [sflag:$0x1] =	stream.indirect.gather [hbm4b:s1+s8], $0x80, s13, s8, $0xb8;
	[tilespmem:$0x10400] =	vst v63  }
0x4e: {  	_ =	swait.ge [sflag:s15], $0x4000  }
0x4f: {  	[sflag:s15] =	ssyncset.done $0x0  }
0x50: {  	[sflag:s15] =	ssyncadd.s32 $0xFFFFC000  }
0x51: {  	_ =	swait.ge [sflag:s15], $0x4000  }
0x52: {  	[sflag:s15] =	ssyncset.done $0x0  }
0x53: {  	[sflag:s15] =	ssyncadd.s32 $0xFFFFC000  }
0x54: {  	_ =	swait.ge [sflag:s15], $0x4000  }
0x55: {  	[sflag:s15] =	ssyncset.done $0x0  }
0x56: {  	[sflag:s15] =	ssyncadd.s32 $0xFFFFC000  }
0x57: {  	_ =	swait.ge [sflag:s15], $0x4000  }
0x58: {  	[sflag:s15] =	ssyncset.done $0x0  }
0x59: {  	s24 =	sadd.s32 $0xFFFFE000, s21;
	[sflag:s15] =	ssyncadd.s32 $0xFFFFC000  }
0x5a: {  	[hbm4b:s24+s3] =	stream.linear.scatter [tilespmem:s9], [sflag:$0x2], $0x10000, $0x38;
	[tilespmem:$0x10400] =	vst v63  }
0x5b: {  	_ =	swait.ge [sflag:s7], $0x10000  }
0x5c: {  	[sflag:s7] =	ssyncset.done $0x0  }
0x5d: {  	[sflag:s7] =	ssyncadd.s32 $0xFFFF0000  }
0x5e: {  	[tilespmem:s9], [sflag:$0x1] =	stream.indirect.gather [hbm4b:s1+s8], $0x80, s16, s8, $0xb8;
	[tilespmem:$0x10400] =	vst v63  }
0x5f: {  	_ = 	snop  }
0x60: {  	[tilespmem:s10], [sflag:$0x1] =	stream.indirect.gather [hbm4b:s1+s8], $0x80, s17, s8, $0xb8;
	[tilespmem:$0x10400] =	vst v63  }
0x61: {  	_ = 	snop  }
0x62: {  	[tilespmem:s12], [sflag:$0x1] =	stream.indirect.gather [hbm4b:s1+s8], $0x80, s18, s8, $0xb8;
	[tilespmem:$0x10400] =	vst v63  }
0x63: {  	_ = 	snop  }
0x64: {  	[tilespmem:s14], [sflag:$0x1] =	stream.indirect.gather [hbm4b:s1+s8], $0x80, s19, s8, $0xb8;
	[tilespmem:$0x10400] =	vst v63  }
0x65: {  	_ =	swait.ge [sflag:s15], $0x4000  }
0x66: {  	[sflag:s15] =	ssyncset.done $0x0  }
0x67: {  	[sflag:s15] =	ssyncadd.s32 $0xFFFFC000  }
0x68: {  	_ =	swait.ge [sflag:s15], $0x4000  }
0x69: {  	[sflag:s15] =	ssyncset.done $0x0  }
0x6a: {  	[sflag:s15] =	ssyncadd.s32 $0xFFFFC000  }
0x6b: {  	_ =	swait.ge [sflag:s15], $0x4000  }
0x6c: {  	[sflag:s15] =	ssyncset.done $0x0  }
0x6d: {  	[sflag:s15] =	ssyncadd.s32 $0xFFFFC000  }
0x6e: {  	_ =	swait.ge [sflag:s15], $0x4000  }
.Ltmp0:
0x6f: {  	[sflag:s15] =	ssyncset.done $0x0;
	(pc) =	sbr.rel @p0 .LBB2_2-.Ltmp0, $4  }
0x70: {  	[sflag:s15] =	ssyncadd.s32 $0xFFFFC000  }
0x71: {  	[hbm4b:s21+s3] =	stream.linear.scatter [tilespmem:s9], [sflag:$0x2], $0x10000, $0x38;
	[tilespmem:$0x10400] =	vst v63  }
0x72: {  	_ =	swait.ge [sflag:s7], $0x10000  }
0x73: {  	s24 =	smov.u32 s23;
	s21 =	sadd.s32 $0x4000, s21;
	[sflag:s7] =	ssyncset.done $0x0  }
0x74: {  	s22 =	sadd.s32 s22, s6;
	[sflag:s7] =	ssyncadd.s32 $0xFFFF0000  }
0x75: {  	[tilespmem:s3], [sflag:$0x2] =	stream.linear.gather [hbm4b:s22+s3], $0x400, $0x38;
	[tilespmem:$0x10400] =	vst v63  }
0x76: {  	_ =	swait.ge [sflag:s7], $0x400  }
0x77: {  	[sflag:s7] =	ssyncset.done $0x0  }
0x78: {  	[sflag:s7] =	ssyncadd.s32 $0xFFFFFC00  }
0x79: {  	[tilespmem:s9], [sflag:$0x1] =	stream.indirect.gather [hbm4b:s1+s8], $0x80, s3, s8, $0xb8;
	[tilespmem:$0x10400] =	vst v63  }
0x7a: {  	_ = 	snop  }
0x7b: {  	[tilespmem:s10], [sflag:$0x1] =	stream.indirect.gather [hbm4b:s1+s8], $0x80, s8, s8, $0xb8;
	[tilespmem:$0x10400] =	vst v63  }
0x7c: {  	_ = 	snop  }
0x7d: {  	[tilespmem:s12], [sflag:$0x1] =	stream.indirect.gather [hbm4b:s1+s8], $0x80, s11, s8, $0xb8;
	[tilespmem:$0x10400] =	vst v63  }
0x7e: {  	_ = 	snop  }
0x7f: {  	[tilespmem:s14], [sflag:$0x1] =	stream.indirect.gather [hbm4b:s1+s8], $0x80, s13, s8, $0xb8;
	[tilespmem:$0x10400] =	vst v63  }
0x80: {  	_ =	swait.ge [sflag:s15], $0x4000  }
0x81: {  	[sflag:s15] =	ssyncset.done $0x0  }
0x82: {  	[sflag:s15] =	ssyncadd.s32 $0xFFFFC000  }
0x83: {  	_ =	swait.ge [sflag:s15], $0x4000  }
0x84: {  	[sflag:s15] =	ssyncset.done $0x0  }
0x85: {  	[sflag:s15] =	ssyncadd.s32 $0xFFFFC000  }
0x86: {  	_ =	swait.ge [sflag:s15], $0x4000  }
0x87: {  	[sflag:s15] =	ssyncset.done $0x0  }
0x88: {  	[sflag:s15] =	ssyncadd.s32 $0xFFFFC000  }
0x89: {  	_ =	swait.ge [sflag:s15], $0x4000  }
0x8a: {  	[sflag:s15] =	ssyncset.done $0x0  }
0x8b: {  	s31 =	sadd.s32 $0xFFFFE000, s21;
	[sflag:s15] =	ssyncadd.s32 $0xFFFFC000  }
0x8c: {  	[hbm4b:s31+s3] =	stream.linear.scatter [tilespmem:s9], [sflag:$0x2], $0x10000, $0x38;
	[tilespmem:$0x10400] =	vst v63  }
0x8d: {  	_ =	swait.ge [sflag:s7], $0x10000  }
0x8e: {  	[sflag:s7] =	ssyncset.done $0x0  }
0x8f: {  	[sflag:s7] =	ssyncadd.s32 $0xFFFF0000  }
0x90: {  	[tilespmem:s9], [sflag:$0x1] =	stream.indirect.gather [hbm4b:s1+s8], $0x80, s16, s8, $0xb8;
	[tilespmem:$0x10400] =	vst v63  }
0x91: {  	_ = 	snop  }
0x92: {  	[tilespmem:s10], [sflag:$0x1] =	stream.indirect.gather [hbm4b:s1+s8], $0x80, s17, s8, $0xb8;
	[tilespmem:$0x10400] =	vst v63  }
0x93: {  	_ = 	snop  }
0x94: {  	[tilespmem:s12], [sflag:$0x1] =	stream.indirect.gather [hbm4b:s1+s8], $0x80, s18, s8, $0xb8;
	[tilespmem:$0x10400] =	vst v63  }
0x95: {  	_ = 	snop  }
0x96: {  	[tilespmem:s14], [sflag:$0x1] =	stream.indirect.gather [hbm4b:s1+s8], $0x80, s19, s8, $0xb8;
	[tilespmem:$0x10400] =	vst v63  }
0x97: {  	_ =	swait.ge [sflag:s15], $0x4000  }
0x98: {  	[sflag:s15] =	ssyncset.done $0x0  }
0x99: {  	[sflag:s15] =	ssyncadd.s32 $0xFFFFC000  }
0x9a: {  	_ =	swait.ge [sflag:s15], $0x4000  }
0x9b: {  	[sflag:s15] =	ssyncset.done $0x0  }
0x9c: {  	[sflag:s15] =	ssyncadd.s32 $0xFFFFC000  }
0x9d: {  	_ =	swait.ge [sflag:s15], $0x4000  }
0x9e: {  	[sflag:s15] =	ssyncset.done $0x0  }
0x9f: {  	[sflag:s15] =	ssyncadd.s32 $0xFFFFC000  }
0xa0: {  	s20 =	sadd.s32 $0x1, s20;
	_ =	swait.ge [sflag:s15], $0x4000  }
0xa1: {  	p0 =	sne.s32 s20, s4;
	[sflag:s15] =	ssyncset.done $0x0  }
.Ltmp1:
0xa2: {  	[sflag:s15] =	ssyncadd.s32 $0xFFFFC000;
	(pc) =	sbr.rel @p0 .LBB2_1-.Ltmp1, $4  }
0xa3: {  	[hbm4b:s21+s3] =	stream.linear.scatter [tilespmem:s9], [sflag:$0x2], $0x10000, $0x38;
	[tilespmem:$0x10400] =	vst v63  }
0xa4: {  	_ =	swait.ge [sflag:s7], $0x10000  }
0xa5: {  	[sflag:s7] =	ssyncset.done $0x0  }
0xa6: {  	[sflag:s7] =	ssyncadd.s32 $0xFFFF0000  }
0xa7: {  	_ =	sfence.sel $0x180000  }
0xa8: {  	[bflag:$0x0] =	sbarrier.arrive $0xFFFF  }
0xa9: {  	p0 =	sne.s32 s2, $0x0;
	_ =	strace $0x90000047  }
0xaa: {  	s0 =	sadd.s32 @!p0 $0x100000, s0;
	[bflag:$0x2] =	sbarrier.arrive $0xFFFF  }
0xab: {  	[sflag:s0] =	ssyncadd.tile.s32 @!p0 $0x1;
	_ =	shalt  }
.Lfunc_end2:
_tile_overlayer_lowered:
.L_overlay_start_2:
0xac: {  	(tag) =	ssettag $0x2  }
0xad: {  	s0 =	rddreg [dreg:$0x0];
	s2 =	stileid.u32  }
0xae: {  	s1 =	rddreg [dreg:$0x1];
	p0 =	sne.s32 s2, $0x0  }
0xaf: {  	s3 =	rddreg [dreg:$0x2];
	[bflag:$0x3] =	sbarrier.arrive $0xFFFF;
	s2 =	simm.s32 @!p0 $0x1C02  }
0xb0: {  	[timem:s3], [sflag:s2] =	dma.local @!p0 [hbm:s0], s1  }
0xb1: {  	s0 =	simm.s32 @!p0 $0x2  }
0xb2: {  	_ =	swait.ge @!p0 [sflag:s0], s1  }
0xb3: {  	s1 =	ssub.s32 @!p0 $0x0, s1;
	[sflag:s0] =	ssyncset.done @!p0 $0x0  }
0xb4: {  	[sflag:s0] =	ssyncadd.s32 @!p0 s1  }
0xb5: {  	[bflag:$0x3] =	sbarrier.arrive $0xFFFF  }
0xb6: {  	_ =	shalt  }

</sc_bundles>
